<compile_context>
chip_gen: v7x
topology: tpu7x:2x2x1
jax: 0.10.2.dev20260603
libtpu: 0.0.44.dev20260713+nightly
codegen_flags: <defaults>
</compile_context>

<pallas_src>
import functools

import jax
import jax.numpy as jnp
from jax import lax
from jax.experimental import pallas as pl
from jax.experimental.pallas import tpu as pltpu
from jax.experimental.pallas import tpu_sc as plsc

NC = 2
NS = 16
NW = NC * NS
CH = 128


def _sc_mesh():
  return plsc.VectorSubcoreMesh(
      core_axis_name="c", subcore_axis_name="s", num_cores=NC,
      num_subcores=NS)


_SC_PARAMS = pltpu.CompilerParams(use_tc_tiling_on_sc=False)


G64, RING64, STAGE64 = 1, 3, True
G32, RING32, STAGE32 = 1, 3, True
G = 4


def _sc_degree(dst3, ones_hbm, zeros_hbm, npad, nch):
  rpt = npad // NS

  @functools.partial(
      pl.kernel,
      mesh=_sc_mesh(),
      compiler_params=_SC_PARAMS,
      out_type=jax.ShapeDtypeStruct((NC, npad, 16), jnp.float32),
      scratch_types=[
          pltpu.VMEM((nch // G, G * CH), jnp.int32),
          pltpu.VMEM((G * CH, 16), jnp.float32),
          pltpu.VMEM_SHARED((npad, 16), jnp.float32),
          pltpu.SemaphoreType.DMA,
      ],
  )
  def k(dst_hbm, ones_h, z_hbm, out_hbm, didx, ones_v, acc, sem):
    c = lax.axis_index("c")
    s = lax.axis_index("s")
    wid = c * NS + s
    pltpu.sync_copy(ones_h, ones_v)
    pltpu.sync_copy(dst_hbm.at[wid], didx)
    pltpu.sync_copy(z_hbm.at[pl.ds(s * rpt, rpt)], acc.at[pl.ds(s * rpt, rpt)])
    plsc.subcore_barrier()

    @pl.loop(0, nch // G)
    def _(j):
      pltpu.async_copy(ones_v, acc.at[didx.at[j]], sem, add=True)

    @pl.loop(0, nch // G)
    def _(j):
      pltpu.make_async_copy(z_hbm.at[pl.ds(0, G * CH)], ones_v, sem).wait()

    plsc.subcore_barrier()
    pltpu.sync_copy(acc.at[pl.ds(s * rpt, rpt)],
                    out_hbm.at[c, pl.ds(s * rpt, rpt)])

  return k(dst3, ones_hbm, zeros_hbm)


def _sc_scatter(u, src3, dst3, zeros_hbm, npad, nch, g, ring, stage):
  d = u.shape[1]
  rpt = npad // NS
  nit = nch // g
  scratch = [
      pltpu.VMEM((nit, g * CH), jnp.int32),
      pltpu.VMEM((nit, g * CH), jnp.int32),
      [pltpu.VMEM((g * CH, d), jnp.float32) for _ in range(ring)],
      pltpu.VMEM_SHARED((npad, d), jnp.float32),
      [pltpu.SemaphoreType.DMA for _ in range(ring)],
      [pltpu.SemaphoreType.DMA for _ in range(ring)],
  ]
  if stage:
    scratch.append(pltpu.VMEM_SHARED((u.shape[0], d), jnp.float32))

  @functools.partial(
      pl.kernel,
      mesh=_sc_mesh(),
      compiler_params=_SC_PARAMS,
      out_type=jax.ShapeDtypeStruct((NC, npad, d), jnp.float32),
      scratch_types=scratch,
  )
  def k(u_hbm, src_hbm, dst_hbm, z_hbm, out_hbm, sidx, didx, rows, acc,
        gsems, ssems, *maybe_tab):
    c = lax.axis_index("c")
    s = lax.axis_index("s")
    wid = c * NS + s
    pltpu.sync_copy(src_hbm.at[wid], sidx)
    pltpu.sync_copy(dst_hbm.at[wid], didx)
    pltpu.sync_copy(z_hbm.at[pl.ds(s * rpt, rpt)], acc.at[pl.ds(s * rpt, rpt)])
    if stage:
      tab = maybe_tab[0]
      n_rt = u_hbm.shape[0] // NS
      pltpu.sync_copy(u_hbm.at[pl.ds(s * n_rt, n_rt)],
                      tab.at[pl.ds(s * n_rt, n_rt)])
    else:
      tab = u_hbm
    plsc.subcore_barrier()
    pltpu.async_copy(tab.at[sidx.at[0]], rows[0], gsems[0])

    @pl.loop(0, nit, step=ring)
    def _(i):
      for b in range(ring):
        j = i + b
        o = (b + 1) % ring

        @pl.when(j < nit)
        def _():
          pltpu.make_async_copy(
              u_hbm.at[pl.ds(0, g * CH)], rows[b], gsems[b]).wait()
          pltpu.async_copy(rows[b], acc.at[didx.at[j]], ssems[b], add=True)

          @pl.when(j + 1 < nit)
          def _():
            @pl.when(j + 1 >= ring)
            def _():
              pltpu.make_async_copy(
                  u_hbm.at[pl.ds(0, g * CH)], rows[o], ssems[o]).wait()

            pltpu.async_copy(tab.at[sidx.at[j + 1]], rows[o], gsems[o])

    for b in range(ring):
      @pl.when(nit - ring + b >= 0)
      def _():
        pltpu.make_async_copy(
            u_hbm.at[pl.ds(0, g * CH)], rows[b], ssems[b]).wait()

    plsc.subcore_barrier()
    pltpu.sync_copy(acc.at[pl.ds(s * rpt, rpt)],
                    out_hbm.at[c, pl.ds(s * rpt, rpt)])

  return k(u, src3, dst3, zeros_hbm)


def _tc_pass_a(degp, x, w1, n):
  dh = w1.shape[1]

  def body(degp_ref, x_ref, w_ref, u_ref, dinv_ref):
    deg = degp_ref[0] + degp_ref[1]
    dinv = lax.rsqrt(deg[:n, 0:1] + 1.0)
    h = jnp.dot(x_ref[...], w_ref[...], preferred_element_type=jnp.float32)
    u_ref[...] = h * dinv
    dinv_ref[...] = dinv

  return pl.pallas_call(
      body,
      out_shape=(
          jax.ShapeDtypeStruct((n, dh), jnp.float32),
          jax.ShapeDtypeStruct((n, 1), jnp.float32),
      ),
  )(degp, x, w1)


def _tc_pass_b(s1, u1, dinv, b1, w2, n):
  do = w2.shape[1]

  def body(s_ref, u_ref, dinv_ref, b_ref, w_ref, u2_ref):
    agg = (s_ref[0, :n] + s_ref[1, :n] + u_ref[...]) * dinv_ref[...]
    h1 = jnp.maximum(agg + b_ref[...], 0.0)
    h2 = jnp.dot(h1, w_ref[...], preferred_element_type=jnp.float32)
    u2_ref[...] = h2 * dinv_ref[...]

  return pl.pallas_call(
      body,
      out_shape=jax.ShapeDtypeStruct((n, do), jnp.float32),
  )(s1, u1, dinv, b1, w2)


def _tc_pass_c(s2, u2, dinv, b2, n):
  do = u2.shape[1]

  def body(s_ref, u_ref, dinv_ref, b_ref, out_ref):
    agg = (s_ref[0, :n] + s_ref[1, :n] + u_ref[...]) * dinv_ref[...]
    out_ref[...] = agg + b_ref[...]

  return pl.pallas_call(
      body,
      out_shape=jax.ShapeDtypeStruct((n, do), jnp.float32),
  )(s2, u2, dinv, b2)


def kernel(x, edge_index, W1, b1, W2, b2):
  n = x.shape[0]
  e = edge_index.shape[1]
  dh = W1.shape[1]
  do = W2.shape[1]

  nch = -(-e // (NW * CH * G)) * G
  epad = NW * nch * CH
  src = jnp.concatenate(
      [edge_index[0], jnp.zeros((epad - e,), edge_index.dtype)])
  dst = jnp.concatenate(
      [edge_index[1], jnp.full((epad - e,), n, edge_index.dtype)])
  dst3 = dst.reshape(NW, nch // G, G * CH)
  dst64 = dst.reshape(NW, nch // G64, G64 * CH)
  src64 = src.reshape(NW, nch // G64, G64 * CH)
  dst32 = dst.reshape(NW, nch // G32, G32 * CH)
  src32 = src.reshape(NW, nch // G32, G32 * CH)

  npad = -(-(n + 1) // (NS * 8)) * (NS * 8)
  ones16 = jnp.ones((G * CH, 16), jnp.float32)
  z16 = jnp.zeros((npad, 16), jnp.float32)
  zh = jnp.zeros((npad, dh), jnp.float32)
  zo = jnp.zeros((npad, do), jnp.float32)

  degp = _sc_degree(dst3, ones16, z16, npad, nch)
  u1, dinv = _tc_pass_a(degp, x, W1, n)
  s1 = _sc_scatter(u1, src64, dst64, zh, npad, nch, G64, RING64, STAGE64)
  u2 = _tc_pass_b(s1, u1, dinv, b1, W2, n)
  s2 = _sc_scatter(u2, src32, dst32, zo, npad, nch, G32, RING32, STAGE32)
  return _tc_pass_c(s2, u2, dinv, b2, n)

# --- scband reference (transcript-rebuilt; emitter-appended) ---
"""Pipeline reference for scband-gcngae-75969381531758 (READ-ONLY COPY).

The authoritative reference and input builder live on the scoring server;
editing this copy changes nothing except your own understanding.
"""

import jax, jax.numpy as jnp
import numpy as np

N_NODES = 10000
N_EDGES = 320000
D_IN = 128
D_HID = 64
D_OUT = 32


def setup_inputs(seed: int = 0) -> dict:
    key = jax.random.key(seed)
    k0, k1, k2, k3, k4, k5 = jax.random.split(key, 6)
    x = jax.random.normal(k0, (N_NODES, D_IN), dtype=jnp.float32)
    edge_index = jax.random.randint(k1, (2, N_EDGES), 0, N_NODES, dtype=jnp.int32)
    W1 = jax.random.normal(k2, (D_IN, D_HID), dtype=jnp.float32) / np.sqrt(D_IN)
    b1 = jnp.zeros((D_HID,), dtype=jnp.float32)
    W2 = jax.random.normal(k3, (D_HID, D_OUT), dtype=jnp.float32) / np.sqrt(D_HID)
    b2 = jnp.zeros((D_OUT,), dtype=jnp.float32)
    return {"x": x, "edge_index": edge_index, "W1": W1, "b1": b1, "W2": W2, "b2": b2}


def _gcn_layer(x, src, dst, norm, W, b, n):
    # GCNConv: linear transform, then normalized sum aggregation, then bias
    h = x @ W
    msg = jnp.take(h, src, axis=0) * norm[:, None]
    agg = jax.ops.segment_sum(msg, dst, num_segments=n)
    return agg + b


def reference(x, edge_index, W1, b1, W2, b2):
    n = x.shape[0]
    loop = jnp.arange(n, dtype=edge_index.dtype)
    src = jnp.concatenate([edge_index[0], loop])
    dst = jnp.concatenate([edge_index[1], loop])
    # symmetric normalization with self-loops (cached=True: same norm both layers)
    deg = jax.ops.segment_sum(jnp.ones_like(src, dtype=x.dtype), dst, num_segments=n)
    dinv = jnp.where(deg > 0, jax.lax.rsqrt(deg), 0.0)
    norm = jnp.take(dinv, src) * jnp.take(dinv, dst)
    h = jax.nn.relu(_gcn_layer(x, src, dst, norm, W1, b1, n))
    out = _gcn_layer(h, src, dst, norm, W2, b2, n)
    return out

if __name__ == "__main__":
    import jax
    _d = setup_inputs()
    print(jax.jit(kernel)(*tuple(_d.values())))

</pallas_src>

<mosaic_0001>
#map = affine_map<(d0, d1) -> (0, 0, 0)>
#map1 = affine_map<(d0, d1) -> (0, 0)>
module attributes {stable_mosaic.version = 14 : i64} {
  func.func @k(%arg0: i32, %arg1: i32, %arg2: memref<32x20x512xi32, #tpu.memory_space<hbm>>, %arg3: memref<512x16xf32, #tpu.memory_space<hbm>>, %arg4: memref<10112x16xf32, #tpu.memory_space<hbm>>, %arg5: memref<2x10112x16xf32, #tpu.memory_space<hbm>>, %arg6: memref<20x512xi32, #tpu.memory_space<vmem>>, %arg7: memref<512x16xf32, #tpu.memory_space<vmem>>, %arg8: memref<10112x16xf32, #tpu.memory_space<vmem_shared>>, %arg9: memref<!tpu.dma_semaphore, #tpu.memory_space<semaphore_mem>>) attributes {dimension_semantics = [#tpu.dimension_semantics<core_parallel>, #tpu.dimension_semantics<subcore_parallel>], iteration_bounds = array<i64: 2, 16>, scalar_prefetch = 0 : i64, scratch_operands = 4 : i64, tpu.core_type = #tpu.core_type<sc_vector_subcore>, window_params = [{transform_indices = #map}, {transform_indices = #map1}, {transform_indices = #map1}, {transform_indices = #map}]} {
    %mul3A = arith.constant 16 : i32
    %mul3A_0 = arith.muli %arg0, %mul3A : i32
    %add3A = arith.addi %mul3A_0, %arg1 : i32
    "tpu.region"() ({
      %run_scoped3A = tpu.sem_alloc : memref<!tpu.dma_semaphore, #tpu.memory_space<semaphore_mem>>
      tpu.enqueue_dma source(%arg3 : memref<512x16xf32, #tpu.memory_space<hbm>>) target(%arg7 : memref<512x16xf32, #tpu.memory_space<vmem>>) target_semaphore(%run_scoped3A : memref<!tpu.dma_semaphore, #tpu.memory_space<semaphore_mem>>)
      tpu.wait_dma2 semaphore(%run_scoped3A : memref<!tpu.dma_semaphore, #tpu.memory_space<semaphore_mem>>) src(%arg3 : memref<512x16xf32, #tpu.memory_space<hbm>>) dst(%arg7 : memref<512x16xf32, #tpu.memory_space<vmem>>)
      tpu.yield
    }) : () -> ()
    "tpu.region"() ({
      %run_scoped3A = tpu.sem_alloc : memref<!tpu.dma_semaphore, #tpu.memory_space<semaphore_mem>>
      %dma_start3A = arith.constant 0 : i32
      %dma_start3A_19 = arith.constant 0 : i32
      %dma_start3A_20 = tpu.memref_slice %arg2[%add3A, %dma_start3A, %dma_start3A_19] : memref<32x20x512xi32, #tpu.memory_space<hbm>> -> memref<1x20x512xi32, #tpu.memory_space<hbm>>
      %dma_start3A_21 = tpu.memref_squeeze %dma_start3A_20 : memref<1x20x512xi32, #tpu.memory_space<hbm>> -> memref<20x512xi32, #tpu.memory_space<hbm>>
      %dma_start3A_22 = arith.constant 0 : i32
      %dma_start3A_23 = arith.constant 0 : i32
      %dma_start3A_24 = tpu.memref_slice %arg2[%add3A, %dma_start3A_22, %dma_start3A_23] : memref<32x20x512xi32, #tpu.memory_space<hbm>> -> memref<1x20x512xi32, #tpu.memory_space<hbm>>
      %dma_start3A_25 = tpu.memref_squeeze %dma_start3A_24 : memref<1x20x512xi32, #tpu.memory_space<hbm>> -> memref<20x512xi32, #tpu.memory_space<hbm>>
      tpu.enqueue_dma source(%dma_start3A_25 : memref<20x512xi32, #tpu.memory_space<hbm>>) target(%arg6 : memref<20x512xi32, #tpu.memory_space<vmem>>) target_semaphore(%run_scoped3A : memref<!tpu.dma_semaphore, #tpu.memory_space<semaphore_mem>>)
      %dma_wait3A = arith.constant 0 : i32
      %dma_wait3A_26 = arith.constant 0 : i32
      %dma_wait3A_27 = tpu.memref_slice %arg2[%add3A, %dma_wait3A, %dma_wait3A_26] : memref<32x20x512xi32, #tpu.memory_space<hbm>> -> memref<1x20x512xi32, #tpu.memory_space<hbm>>
      %dma_wait3A_28 = tpu.memref_squeeze %dma_wait3A_27 : memref<1x20x512xi32, #tpu.memory_space<hbm>> -> memref<20x512xi32, #tpu.memory_space<hbm>>
      %dma_wait3A_29 = arith.constant 0 : i32
      %dma_wait3A_30 = arith.constant 0 : i32
      %dma_wait3A_31 = tpu.memref_slice %arg2[%add3A, %dma_wait3A_29, %dma_wait3A_30] : memref<32x20x512xi32, #tpu.memory_space<hbm>> -> memref<1x20x512xi32, #tpu.memory_space<hbm>>
      %dma_wait3A_32 = tpu.memref_squeeze %dma_wait3A_31 : memref<1x20x512xi32, #tpu.memory_space<hbm>> -> memref<20x512xi32, #tpu.memory_space<hbm>>
      tpu.wait_dma2 semaphore(%run_scoped3A : memref<!tpu.dma_semaphore, #tpu.memory_space<semaphore_mem>>) src(%dma_wait3A_32 : memref<20x512xi32, #tpu.memory_space<hbm>>) dst(%arg6 : memref<20x512xi32, #tpu.memory_space<vmem>>)
      tpu.yield
    }) : () -> ()
    %mul3A_1 = arith.constant 632 : i32
    %mul3A_2 = arith.muli %arg1, %mul3A_1 : i32
    %mul3A_3 = arith.constant 632 : i32
    %mul3A_4 = arith.muli %arg1, %mul3A_3 : i32
    "tpu.region"() ({
      %run_scoped3A = tpu.sem_alloc : memref<!tpu.dma_semaphore, #tpu.memory_space<semaphore_mem>>
      %dma_start3A = arith.constant 0 : i32
      %dma_start3A_19 = tpu.memref_slice %arg8[%mul3A_4, %dma_start3A] : memref<10112x16xf32, #tpu.memory_space<vmem_shared>> -> memref<632x16xf32, #tpu.memory_space<vmem_shared>>
      %dma_start3A_20 = arith.constant 0 : i32
      %dma_start3A_21 = tpu.memref_slice %arg4[%mul3A_2, %dma_start3A_20] : memref<10112x16xf32, #tpu.memory_space<hbm>> -> memref<632x16xf32, #tpu.memory_space<hbm>>
      tpu.enqueue_dma source(%dma_start3A_21 : memref<632x16xf32, #tpu.memory_space<hbm>>) target(%dma_start3A_19 : memref<632x16xf32, #tpu.memory_space<vmem_shared>>) target_semaphore(%run_scoped3A : memref<!tpu.dma_semaphore, #tpu.memory_space<semaphore_mem>>)
      %dma_wait3A = arith.constant 0 : i32
      %dma_wait3A_22 = tpu.memref_slice %arg8[%mul3A_4, %dma_wait3A] : memref<10112x16xf32, #tpu.memory_space<vmem_shared>> -> memref<632x16xf32, #tpu.memory_space<vmem_shared>>
      %dma_wait3A_23 = arith.constant 0 : i32
      %dma_wait3A_24 = tpu.memref_slice %arg4[%mul3A_2, %dma_wait3A_23] : memref<10112x16xf32, #tpu.memory_space<hbm>> -> memref<632x16xf32, #tpu.memory_space<hbm>>
      tpu.wait_dma2 semaphore(%run_scoped3A : memref<!tpu.dma_semaphore, #tpu.memory_space<semaphore_mem>>) src(%dma_wait3A_24 : memref<632x16xf32, #tpu.memory_space<hbm>>) dst(%dma_wait3A_22 : memref<632x16xf32, #tpu.memory_space<vmem_shared>>)
      tpu.yield
    }) : () -> ()
    %barrier3A = arith.constant 0 : index
    tpu.barrier barrier_id(%barrier3A)
    %scan3A = arith.constant 0 : i32
    %scan3A_5 = arith.constant 20 : i32
    %scan3A_6 = arith.addi %scan3A, %scan3A_5 : i32
    %scan3A_7 = arith.constant 1 : i32
    scf.for %scan3A_19 = %scan3A to %scan3A_6 step %scan3A_7  : i32 {
      %mul3A_20 = arith.constant 1 : i32
      %mul3A_21 = arith.muli %scan3A_19, %mul3A_20 : i32
      %add3A_22 = arith.constant 0 : i32
      %add3A_23 = arith.addi %add3A_22, %mul3A_21 : i32
      %dma_start3A = arith.constant 0 : i32
      %dma_start3A_24 = tpu.memref_slice %arg6[%add3A_23, %dma_start3A] : memref<20x512xi32, #tpu.memory_space<vmem>> -> memref<1x512xi32, #tpu.memory_space<vmem>>
      %dma_start3A_25 = tpu.memref_squeeze %dma_start3A_24 : memref<1x512xi32, #tpu.memory_space<vmem>> -> memref<512xi32, #tpu.memory_space<vmem>>
      %dma_start3A_26 = arith.constant 0 : i32
      %dma_start3A_27 = arith.constant 0 : i32
      %dma_start3A_28 = tpu.memref_slice %arg8[%dma_start3A_26, %dma_start3A_27] : memref<10112x16xf32, #tpu.memory_space<vmem_shared>> -> memref<10112x16xf32, #tpu.memory_space<vmem_shared>>
      tpu.enqueue_indirect_dma source(%arg7 : memref<512x16xf32, #tpu.memory_space<vmem>>) target(%dma_start3A_28 : memref<10112x16xf32, #tpu.memory_space<vmem_shared>>) offsets(%dma_start3A_25 : memref<512xi32, #tpu.memory_space<vmem>>) semaphore(%arg9 : memref<!tpu.dma_semaphore, #tpu.memory_space<semaphore_mem>>) {add = true}
    }
    %scan3A_8 = arith.constant 20 : i32
    %scan3A_9 = arith.constant 0 : i32
    %scan3A_10 = arith.constant 20 : i32
    %scan3A_11 = arith.addi %scan3A_9, %scan3A_10 : i32
    %scan3A_12 = arith.constant 1 : i32
    scf.for %scan3A_19 = %scan3A_9 to %scan3A_11 step %scan3A_12  : i32 {
      %mul3A_20 = arith.constant 1 : i32
      %mul3A_21 = arith.muli %scan3A_19, %mul3A_20 : i32
      %add3A_22 = arith.constant 0 : i32
      %add3A_23 = arith.addi %add3A_22, %mul3A_21 : i32
      %dma_wait3A = arith.constant 0 : i32
      %dma_wait3A_24 = arith.constant 0 : i32
      %dma_wait3A_25 = tpu.memref_slice %arg4[%dma_wait3A, %dma_wait3A_24] : memref<10112x16xf32, #tpu.memory_space<hbm>> -> memref<512x16xf32, #tpu.memory_space<hbm>>
      %dma_wait3A_26 = arith.constant 0 : i32
      %dma_wait3A_27 = arith.constant 0 : i32
      %dma_wait3A_28 = tpu.memref_slice %arg4[%dma_wait3A_26, %dma_wait3A_27] : memref<10112x16xf32, #tpu.memory_space<hbm>> -> memref<512x16xf32, #tpu.memory_space<hbm>>
      tpu.wait_dma2 semaphore(%arg9 : memref<!tpu.dma_semaphore, #tpu.memory_space<semaphore_mem>>) src(%dma_wait3A_28 : memref<512x16xf32, #tpu.memory_space<hbm>>) dst(%arg7 : memref<512x16xf32, #tpu.memory_space<vmem>>)
    }
    %scan3A_13 = arith.constant 20 : i32
    %barrier3A_14 = arith.constant 0 : index
    tpu.barrier barrier_id(%barrier3A_14)
    %mul3A_15 = arith.constant 632 : i32
    %mul3A_16 = arith.muli %arg1, %mul3A_15 : i32
    %mul3A_17 = arith.constant 632 : i32
    %mul3A_18 = arith.muli %arg1, %mul3A_17 : i32
    "tpu.region"() ({
      %run_scoped3A = tpu.sem_alloc : memref<!tpu.dma_semaphore, #tpu.memory_space<semaphore_mem>>
      %dma_start3A = arith.constant 0 : i32
      %dma_start3A_19 = tpu.memref_slice %arg5[%arg0, %mul3A_18, %dma_start3A] : memref<2x10112x16xf32, #tpu.memory_space<hbm>> -> memref<1x632x16xf32, #tpu.memory_space<hbm>>
      %dma_start3A_20 = tpu.memref_squeeze %dma_start3A_19 : memref<1x632x16xf32, #tpu.memory_space<hbm>> -> memref<632x16xf32, #tpu.memory_space<hbm>>
      %dma_start3A_21 = arith.constant 0 : i32
      %dma_start3A_22 = tpu.memref_slice %arg8[%mul3A_16, %dma_start3A_21] : memref<10112x16xf32, #tpu.memory_space<vmem_shared>> -> memref<632x16xf32, #tpu.memory_space<vmem_shared>>
      tpu.enqueue_dma source(%dma_start3A_22 : memref<632x16xf32, #tpu.memory_space<vmem_shared>>) target(%dma_start3A_20 : memref<632x16xf32, #tpu.memory_space<hbm>>) target_semaphore(%run_scoped3A : memref<!tpu.dma_semaphore, #tpu.memory_space<semaphore_mem>>)
      %dma_wait3A = arith.constant 0 : i32
      %dma_wait3A_23 = tpu.memref_slice %arg5[%arg0, %mul3A_18, %dma_wait3A] : memref<2x10112x16xf32, #tpu.memory_space<hbm>> -> memref<1x632x16xf32, #tpu.memory_space<hbm>>
      %dma_wait3A_24 = tpu.memref_squeeze %dma_wait3A_23 : memref<1x632x16xf32, #tpu.memory_space<hbm>> -> memref<632x16xf32, #tpu.memory_space<hbm>>
      %dma_wait3A_25 = arith.constant 0 : i32
      %dma_wait3A_26 = tpu.memref_slice %arg8[%mul3A_16, %dma_wait3A_25] : memref<10112x16xf32, #tpu.memory_space<vmem_shared>> -> memref<632x16xf32, #tpu.memory_space<vmem_shared>>
      tpu.wait_dma2 semaphore(%run_scoped3A : memref<!tpu.dma_semaphore, #tpu.memory_space<semaphore_mem>>) src(%dma_wait3A_26 : memref<632x16xf32, #tpu.memory_space<vmem_shared>>) dst(%dma_wait3A_24 : memref<632x16xf32, #tpu.memory_space<hbm>>)
      tpu.yield
    }) : () -> ()
    return
  }
}

#map = affine_map<(d0, d1) -> (0, 0)>
#map1 = affine_map<(d0, d1) -> (0, 0, 0)>
module attributes {stable_mosaic.version = 14 : i64} {
  func.func @k(%arg0: i32, %arg1: i32, %arg2: memref<10000x64xf32, #tpu.memory_space<hbm>>, %arg3: memref<32x80x128xi32, #tpu.memory_space<hbm>>, %arg4: memref<32x80x128xi32, #tpu.memory_space<hbm>>, %arg5: memref<10112x64xf32, #tpu.memory_space<hbm>>, %arg6: memref<2x10112x64xf32, #tpu.memory_space<hbm>>, %arg7: memref<80x128xi32, #tpu.memory_space<vmem>>, %arg8: memref<80x128xi32, #tpu.memory_space<vmem>>, %arg9: memref<128x64xf32, #tpu.memory_space<vmem>>, %arg10: memref<128x64xf32, #tpu.memory_space<vmem>>, %arg11: memref<128x64xf32, #tpu.memory_space<vmem>>, %arg12: memref<10112x64xf32, #tpu.memory_space<vmem_shared>>, %arg13: memref<!tpu.dma_semaphore, #tpu.memory_space<semaphore_mem>>, %arg14: memref<!tpu.dma_semaphore, #tpu.memory_space<semaphore_mem>>, %arg15: memref<!tpu.dma_semaphore, #tpu.memory_space<semaphore_mem>>, %arg16: memref<!tpu.dma_semaphore, #tpu.memory_space<semaphore_mem>>, %arg17: memref<!tpu.dma_semaphore, #tpu.memory_space<semaphore_mem>>, %arg18: memref<!tpu.dma_semaphore, #tpu.memory_space<semaphore_mem>>, %arg19: memref<10000x64xf32, #tpu.memory_space<vmem_shared>>) attributes {dimension_semantics = [#tpu.dimension_semantics<core_parallel>, #tpu.dimension_semantics<subcore_parallel>], iteration_bounds = array<i64: 2, 16>, scalar_prefetch = 0 : i64, scratch_operands = 13 : i64, tpu.core_type = #tpu.core_type<sc_vector_subcore>, window_params = [{transform_indices = #map}, {transform_indices = #map1}, {transform_indices = #map1}, {transform_indices = #map}, {transform_indices = #map1}]} {
    %mul3A = arith.constant 16 : i32
    %mul3A_0 = arith.muli %arg0, %mul3A : i32
    %add3A = arith.addi %mul3A_0, %arg1 : i32
    "tpu.region"() ({
      %run_scoped3A = tpu.sem_alloc : memref<!tpu.dma_semaphore, #tpu.memory_space<semaphore_mem>>
      %dma_start3A_41 = arith.constant 0 : i32
      %dma_start3A_42 = arith.constant 0 : i32
      %dma_start3A_43 = tpu.memref_slice %arg3[%add3A, %dma_start3A_41, %dma_start3A_42] : memref<32x80x128xi32, #tpu.memory_space<hbm>> -> memref<1x80x128xi32, #tpu.memory_space<hbm>>
      %dma_start3A_44 = tpu.memref_squeeze %dma_start3A_43 : memref<1x80x128xi32, #tpu.memory_space<hbm>> -> memref<80x128xi32, #tpu.memory_space<hbm>>
      %dma_start3A_45 = arith.constant 0 : i32
      %dma_start3A_46 = arith.constant 0 : i32
      %dma_start3A_47 = tpu.memref_slice %arg3[%add3A, %dma_start3A_45, %dma_start3A_46] : memref<32x80x128xi32, #tpu.memory_space<hbm>> -> memref<1x80x128xi32, #tpu.memory_space<hbm>>
      %dma_start3A_48 = tpu.memref_squeeze %dma_start3A_47 : memref<1x80x128xi32, #tpu.memory_space<hbm>> -> memref<80x128xi32, #tpu.memory_space<hbm>>
      tpu.enqueue_dma source(%dma_start3A_48 : memref<80x128xi32, #tpu.memory_space<hbm>>) target(%arg7 : memref<80x128xi32, #tpu.memory_space<vmem>>) target_semaphore(%run_scoped3A : memref<!tpu.dma_semaphore, #tpu.memory_space<semaphore_mem>>)
      %dma_wait3A_49 = arith.constant 0 : i32
      %dma_wait3A_50 = arith.constant 0 : i32
      %dma_wait3A_51 = tpu.memref_slice %arg3[%add3A, %dma_wait3A_49, %dma_wait3A_50] : memref<32x80x128xi32, #tpu.memory_space<hbm>> -> memref<1x80x128xi32, #tpu.memory_space<hbm>>
      %dma_wait3A_52 = tpu.memref_squeeze %dma_wait3A_51 : memref<1x80x128xi32, #tpu.memory_space<hbm>> -> memref<80x128xi32, #tpu.memory_space<hbm>>
      %dma_wait3A_53 = arith.constant 0 : i32
      %dma_wait3A_54 = arith.constant 0 : i32
      %dma_wait3A_55 = tpu.memref_slice %arg3[%add3A, %dma_wait3A_53, %dma_wait3A_54] : memref<32x80x128xi32, #tpu.memory_space<hbm>> -> memref<1x80x128xi32, #tpu.memory_space<hbm>>
      %dma_wait3A_56 = tpu.memref_squeeze %dma_wait3A_55 : memref<1x80x128xi32, #tpu.memory_space<hbm>> -> memref<80x128xi32, #tpu.memory_space<hbm>>
      tpu.wait_dma2 semaphore(%run_scoped3A : memref<!tpu.dma_semaphore, #tpu.memory_space<semaphore_mem>>) src(%dma_wait3A_56 : memref<80x128xi32, #tpu.memory_space<hbm>>) dst(%arg7 : memref<80x128xi32, #tpu.memory_space<vmem>>)
      tpu.yield
    }) : () -> ()
    "tpu.region"() ({
      %run_scoped3A = tpu.sem_alloc : memref<!tpu.dma_semaphore, #tpu.memory_space<semaphore_mem>>
      %dma_start3A_41 = arith.constant 0 : i32
      %dma_start3A_42 = arith.constant 0 : i32
      %dma_start3A_43 = tpu.memref_slice %arg4[%add3A, %dma_start3A_41, %dma_start3A_42] : memref<32x80x128xi32, #tpu.memory_space<hbm>> -> memref<1x80x128xi32, #tpu.memory_space<hbm>>
      %dma_start3A_44 = tpu.memref_squeeze %dma_start3A_43 : memref<1x80x128xi32, #tpu.memory_space<hbm>> -> memref<80x128xi32, #tpu.memory_space<hbm>>
      %dma_start3A_45 = arith.constant 0 : i32
      %dma_start3A_46 = arith.constant 0 : i32
      %dma_start3A_47 = tpu.memref_slice %arg4[%add3A, %dma_start3A_45, %dma_start3A_46] : memref<32x80x128xi32, #tpu.memory_space<hbm>> -> memref<1x80x128xi32, #tpu.memory_space<hbm>>
      %dma_start3A_48 = tpu.memref_squeeze %dma_start3A_47 : memref<1x80x128xi32, #tpu.memory_space<hbm>> -> memref<80x128xi32, #tpu.memory_space<hbm>>
      tpu.enqueue_dma source(%dma_start3A_48 : memref<80x128xi32, #tpu.memory_space<hbm>>) target(%arg8 : memref<80x128xi32, #tpu.memory_space<vmem>>) target_semaphore(%run_scoped3A : memref<!tpu.dma_semaphore, #tpu.memory_space<semaphore_mem>>)
      %dma_wait3A_49 = arith.constant 0 : i32
      %dma_wait3A_50 = arith.constant 0 : i32
      %dma_wait3A_51 = tpu.memref_slice %arg4[%add3A, %dma_wait3A_49, %dma_wait3A_50] : memref<32x80x128xi32, #tpu.memory_space<hbm>> -> memref<1x80x128xi32, #tpu.memory_space<hbm>>
      %dma_wait3A_52 = tpu.memref_squeeze %dma_wait3A_51 : memref<1x80x128xi32, #tpu.memory_space<hbm>> -> memref<80x128xi32, #tpu.memory_space<hbm>>
      %dma_wait3A_53 = arith.constant 0 : i32
      %dma_wait3A_54 = arith.constant 0 : i32
      %dma_wait3A_55 = tpu.memref_slice %arg4[%add3A, %dma_wait3A_53, %dma_wait3A_54] : memref<32x80x128xi32, #tpu.memory_space<hbm>> -> memref<1x80x128xi32, #tpu.memory_space<hbm>>
      %dma_wait3A_56 = tpu.memref_squeeze %dma_wait3A_55 : memref<1x80x128xi32, #tpu.memory_space<hbm>> -> memref<80x128xi32, #tpu.memory_space<hbm>>
      tpu.wait_dma2 semaphore(%run_scoped3A : memref<!tpu.dma_semaphore, #tpu.memory_space<semaphore_mem>>) src(%dma_wait3A_56 : memref<80x128xi32, #tpu.memory_space<hbm>>) dst(%arg8 : memref<80x128xi32, #tpu.memory_space<vmem>>)
      tpu.yield
    }) : () -> ()
    %mul3A_1 = arith.constant 632 : i32
    %mul3A_2 = arith.muli %arg1, %mul3A_1 : i32
    %mul3A_3 = arith.constant 632 : i32
    %mul3A_4 = arith.muli %arg1, %mul3A_3 : i32
    "tpu.region"() ({
      %run_scoped3A = tpu.sem_alloc : memref<!tpu.dma_semaphore, #tpu.memory_space<semaphore_mem>>
      %dma_start3A_41 = arith.constant 0 : i32
      %dma_start3A_42 = tpu.memref_slice %arg12[%mul3A_4, %dma_start3A_41] : memref<10112x64xf32, #tpu.memory_space<vmem_shared>> -> memref<632x64xf32, #tpu.memory_space<vmem_shared>>
      %dma_start3A_43 = arith.constant 0 : i32
      %dma_start3A_44 = tpu.memref_slice %arg5[%mul3A_2, %dma_start3A_43] : memref<10112x64xf32, #tpu.memory_space<hbm>> -> memref<632x64xf32, #tpu.memory_space<hbm>>
      tpu.enqueue_dma source(%dma_start3A_44 : memref<632x64xf32, #tpu.memory_space<hbm>>) target(%dma_start3A_42 : memref<632x64xf32, #tpu.memory_space<vmem_shared>>) target_semaphore(%run_scoped3A : memref<!tpu.dma_semaphore, #tpu.memory_space<semaphore_mem>>)
      %dma_wait3A_45 = arith.constant 0 : i32
      %dma_wait3A_46 = tpu.memref_slice %arg12[%mul3A_4, %dma_wait3A_45] : memref<10112x64xf32, #tpu.memory_space<vmem_shared>> -> memref<632x64xf32, #tpu.memory_space<vmem_shared>>
      %dma_wait3A_47 = arith.constant 0 : i32
      %dma_wait3A_48 = tpu.memref_slice %arg5[%mul3A_2, %dma_wait3A_47] : memref<10112x64xf32, #tpu.memory_space<hbm>> -> memref<632x64xf32, #tpu.memory_space<hbm>>
      tpu.wait_dma2 semaphore(%run_scoped3A : memref<!tpu.dma_semaphore, #tpu.memory_space<semaphore_mem>>) src(%dma_wait3A_48 : memref<632x64xf32, #tpu.memory_space<hbm>>) dst(%dma_wait3A_46 : memref<632x64xf32, #tpu.memory_space<vmem_shared>>)
      tpu.yield
    }) : () -> ()
    %mul3A_5 = arith.constant 625 : i32
    %mul3A_6 = arith.muli %arg1, %mul3A_5 : i32
    %mul3A_7 = arith.constant 625 : i32
    %mul3A_8 = arith.muli %arg1, %mul3A_7 : i32
    "tpu.region"() ({
      %run_scoped3A = tpu.sem_alloc : memref<!tpu.dma_semaphore, #tpu.memory_space<semaphore_mem>>
      %dma_start3A_41 = arith.constant 0 : i32
      %dma_start3A_42 = tpu.memref_slice %arg19[%mul3A_8, %dma_start3A_41] : memref<10000x64xf32, #tpu.memory_space<vmem_shared>> -> memref<625x64xf32, #tpu.memory_space<vmem_shared>>
      %dma_start3A_43 = arith.constant 0 : i32
      %dma_start3A_44 = tpu.memref_slice %arg2[%mul3A_6, %dma_start3A_43] : memref<10000x64xf32, #tpu.memory_space<hbm>> -> memref<625x64xf32, #tpu.memory_space<hbm>>
      tpu.enqueue_dma source(%dma_start3A_44 : memref<625x64xf32, #tpu.memory_space<hbm>>) target(%dma_start3A_42 : memref<625x64xf32, #tpu.memory_space<vmem_shared>>) target_semaphore(%run_scoped3A : memref<!tpu.dma_semaphore, #tpu.memory_space<semaphore_mem>>)
      %dma_wait3A_45 = arith.constant 0 : i32
      %dma_wait3A_46 = tpu.memref_slice %arg19[%mul3A_8, %dma_wait3A_45] : memref<10000x64xf32, #tpu.memory_space<vmem_shared>> -> memref<625x64xf32, #tpu.memory_space<vmem_shared>>
      %dma_wait3A_47 = arith.constant 0 : i32
      %dma_wait3A_48 = tpu.memref_slice %arg2[%mul3A_6, %dma_wait3A_47] : memref<10000x64xf32, #tpu.memory_space<hbm>> -> memref<625x64xf32, #tpu.memory_space<hbm>>
      tpu.wait_dma2 semaphore(%run_scoped3A : memref<!tpu.dma_semaphore, #tpu.memory_space<semaphore_mem>>) src(%dma_wait3A_48 : memref<625x64xf32, #tpu.memory_space<hbm>>) dst(%dma_wait3A_46 : memref<625x64xf32, #tpu.memory_space<vmem_shared>>)
      tpu.yield
    }) : () -> ()
    %barrier3A = arith.constant 0 : index
    tpu.barrier barrier_id(%barrier3A)
    %dma_start3A = arith.constant 0 : i32
    %dma_start3A_9 = arith.constant 0 : i32
    %dma_start3A_10 = tpu.memref_slice %arg7[%dma_start3A, %dma_start3A_9] : memref<80x128xi32, #tpu.memory_space<vmem>> -> memref<1x128xi32, #tpu.memory_space<vmem>>
    %dma_start3A_11 = tpu.memref_squeeze %dma_start3A_10 : memref<1x128xi32, #tpu.memory_space<vmem>> -> memref<128xi32, #tpu.memory_space<vmem>>
    %dma_start3A_12 = arith.constant 0 : i32
    %dma_start3A_13 = arith.constant 0 : i32
    %dma_start3A_14 = tpu.memref_slice %arg19[%dma_start3A_12, %dma_start3A_13] : memref<10000x64xf32, #tpu.memory_space<vmem_shared>> -> memref<10000x64xf32, #tpu.memory_space<vmem_shared>>
    tpu.enqueue_indirect_dma source(%dma_start3A_14 : memref<10000x64xf32, #tpu.memory_space<vmem_shared>>) target(%arg9 : memref<128x64xf32, #tpu.memory_space<vmem>>) offsets(%dma_start3A_11 : memref<128xi32, #tpu.memory_space<vmem>>) semaphore(%arg13 : memref<!tpu.dma_semaphore, #tpu.memory_space<semaphore_mem>>)
    %scan3A = arith.constant 0 : i32
    %scan3A_15 = arith.constant 27 : i32
    %scan3A_16 = arith.addi %scan3A, %scan3A_15 : i32
    %scan3A_17 = arith.constant 1 : i32
    scf.for %scan3A_41 = %scan3A to %scan3A_16 step %scan3A_17  : i32 {
      %mul3A_42 = arith.constant 3 : i32
      %mul3A_43 = arith.muli %scan3A_41, %mul3A_42 : i32
      %add3A_44 = arith.constant 0 : i32
      %add3A_45 = arith.addi %add3A_44, %mul3A_43 : i32
      %add3A_46 = arith.constant 0 : i32
      %add3A_47 = arith.addi %add3A_45, %add3A_46 : i32
      %lt3A = arith.constant 80 : i32
      %lt3A_48 = arith.cmpi slt, %add3A_47, %lt3A : i32
      %convert_element_type3A = arith.extui %lt3A_48 : i1 to i32
      %cond3A = arith.constant 0 : i32
      %cond3A_49 = arith.cmpi ne, %convert_element_type3A, %cond3A : i32
      scf.if %cond3A_49 {
        %dma_wait3A_64 = arith.constant 0 : i32
        %dma_wait3A_65 = arith.constant 0 : i32
        %dma_wait3A_66 = tpu.memref_slice %arg2[%dma_wait3A_64, %dma_wait3A_65] : memref<10000x64xf32, #tpu.memory_space<hbm>> -> memref<128x64xf32, #tpu.memory_space<hbm>>
        %dma_wait3A_67 = arith.constant 0 : i32
        %dma_wait3A_68 = arith.constant 0 : i32
        %dma_wait3A_69 = tpu.memref_slice %arg2[%dma_wait3A_67, %dma_wait3A_68] : memref<10000x64xf32, #tpu.memory_space<hbm>> -> memref<128x64xf32, #tpu.memory_space<hbm>>
        tpu.wait_dma2 semaphore(%arg13 : memref<!tpu.dma_semaphore, #tpu.memory_space<semaphore_mem>>) src(%dma_wait3A_69 : memref<128x64xf32, #tpu.memory_space<hbm>>) dst(%arg9 : memref<128x64xf32, #tpu.memory_space<vmem>>)
        %dma_start3A_70 = arith.constant 0 : i32
        %dma_start3A_71 = tpu.memref_slice %arg8[%add3A_47, %dma_start3A_70] : memref<80x128xi32, #tpu.memory_space<vmem>> -> memref<1x128xi32, #tpu.memory_space<vmem>>
        %dma_start3A_72 = tpu.memref_squeeze %dma_start3A_71 : memref<1x128xi32, #tpu.memory_space<vmem>> -> memref<128xi32, #tpu.memory_space<vmem>>
        %dma_start3A_73 = arith.constant 0 : i32
        %dma_start3A_74 = arith.constant 0 : i32
        %dma_start3A_75 = tpu.memref_slice %arg12[%dma_start3A_73, %dma_start3A_74] : memref<10112x64xf32, #tpu.memory_space<vmem_shared>> -> memref<10112x64xf32, #tpu.memory_space<vmem_shared>>
        tpu.enqueue_indirect_dma source(%arg9 : memref<128x64xf32, #tpu.memory_space<vmem>>) target(%dma_start3A_75 : memref<10112x64xf32, #tpu.memory_space<vmem_shared>>) offsets(%dma_start3A_72 : memref<128xi32, #tpu.memory_space<vmem>>) semaphore(%arg16 : memref<!tpu.dma_semaphore, #tpu.memory_space<semaphore_mem>>) {add = true}
        %add3A_76 = arith.constant 1 : i32
        %add3A_77 = arith.addi %add3A_47, %add3A_76 : i32
        %lt3A_78 = arith.constant 80 : i32
        %lt3A_79 = arith.cmpi slt, %add3A_77, %lt3A_78 : i32
        %convert_element_type3A_80 = arith.extui %lt3A_79 : i1 to i32
        %cond3A_81 = arith.constant 0 : i32
        %cond3A_82 = arith.cmpi ne, %convert_element_type3A_80, %cond3A_81 : i32
        scf.if %cond3A_82 {
          %add3A_83 = arith.constant 1 : i32
          %add3A_84 = arith.addi %add3A_47, %add3A_83 : i32
          %ge3A = arith.constant 3 : i32
          %ge3A_85 = arith.cmpi sge, %add3A_84, %ge3A : i32
          %convert_element_type3A_86 = arith.extui %ge3A_85 : i1 to i32
          %cond3A_87 = arith.constant 0 : i32
          %cond3A_88 = arith.cmpi ne, %convert_element_type3A_86, %cond3A_87 : i32
          scf.if %cond3A_88 {
            %dma_wait3A_97 = arith.constant 0 : i32
            %dma_wait3A_98 = arith.constant 0 : i32
            %dma_wait3A_99 = tpu.memref_slice %arg2[%dma_wait3A_97, %dma_wait3A_98] : memref<10000x64xf32, #tpu.memory_space<hbm>> -> memref<128x64xf32, #tpu.memory_space<hbm>>
            %dma_wait3A_100 = arith.constant 0 : i32
            %dma_wait3A_101 = arith.constant 0 : i32
            %dma_wait3A_102 = tpu.memref_slice %arg2[%dma_wait3A_100, %dma_wait3A_101] : memref<10000x64xf32, #tpu.memory_space<hbm>> -> memref<128x64xf32, #tpu.memory_space<hbm>>
            tpu.wait_dma2 semaphore(%arg17 : memref<!tpu.dma_semaphore, #tpu.memory_space<semaphore_mem>>) src(%dma_wait3A_102 : memref<128x64xf32, #tpu.memory_space<hbm>>) dst(%arg10 : memref<128x64xf32, #tpu.memory_space<vmem>>)
          } else {
          }
          %add3A_89 = arith.constant 1 : i32
          %add3A_90 = arith.addi %add3A_47, %add3A_89 : i32
          %dma_start3A_91 = arith.constant 0 : i32
          %dma_start3A_92 = tpu.memref_slice %arg7[%add3A_90, %dma_start3A_91] : memref<80x128xi32, #tpu.memory_space<vmem>> -> memref<1x128xi32, #tpu.memory_space<vmem>>
          %dma_start3A_93 = tpu.memref_squeeze %dma_start3A_92 : memref<1x128xi32, #tpu.memory_space<vmem>> -> memref<128xi32, #tpu.memory_space<vmem>>
          %dma_start3A_94 = arith.constant 0 : i32
          %dma_start3A_95 = arith.constant 0 : i32
          %dma_start3A_96 = tpu.memref_slice %arg19[%dma_start3A_94, %dma_start3A_95] : memref<10000x64xf32, #tpu.memory_space<vmem_shared>> -> memref<10000x64xf32, #tpu.memory_space<vmem_shared>>
          tpu.enqueue_indirect_dma source(%dma_start3A_96 : memref<10000x64xf32, #tpu.memory_space<vmem_shared>>) target(%arg10 : memref<128x64xf32, #tpu.memory_space<vmem>>) offsets(%dma_start3A_93 : memref<128xi32, #tpu.memory_space<vmem>>) semaphore(%arg14 : memref<!tpu.dma_semaphore, #tpu.memory_space<semaphore_mem>>)
        } else {
        }
      } else {
      }
      %add3A_50 = arith.constant 1 : i32
      %add3A_51 = arith.addi %add3A_45, %add3A_50 : i32
      %lt3A_52 = arith.constant 80 : i32
      %lt3A_53 = arith.cmpi slt, %add3A_51, %lt3A_52 : i32
      %convert_element_type3A_54 = arith.extui %lt3A_53 : i1 to i32
      %cond3A_55 = arith.constant 0 : i32
      %cond3A_56 = arith.cmpi ne, %convert_element_type3A_54, %cond3A_55 : i32
      scf.if %cond3A_56 {
        %dma_wait3A_64 = arith.constant 0 : i32
        %dma_wait3A_65 = arith.constant 0 : i32
        %dma_wait3A_66 = tpu.memref_slice %arg2[%dma_wait3A_64, %dma_wait3A_65] : memref<10000x64xf32, #tpu.memory_space<hbm>> -> memref<128x64xf32, #tpu.memory_space<hbm>>
        %dma_wait3A_67 = arith.constant 0 : i32
        %dma_wait3A_68 = arith.constant 0 : i32
        %dma_wait3A_69 = tpu.memref_slice %arg2[%dma_wait3A_67, %dma_wait3A_68] : memref<10000x64xf32, #tpu.memory_space<hbm>> -> memref<128x64xf32, #tpu.memory_space<hbm>>
        tpu.wait_dma2 semaphore(%arg14 : memref<!tpu.dma_semaphore, #tpu.memory_space<semaphore_mem>>) src(%dma_wait3A_69 : memref<128x64xf32, #tpu.memory_space<hbm>>) dst(%arg10 : memref<128x64xf32, #tpu.memory_space<vmem>>)
        %dma_start3A_70 = arith.constant 0 : i32
        %dma_start3A_71 = tpu.memref_slice %arg8[%add3A_51, %dma_start3A_70] : memref<80x128xi32, #tpu.memory_space<vmem>> -> memref<1x128xi32, #tpu.memory_space<vmem>>
        %dma_start3A_72 = tpu.memref_squeeze %dma_start3A_71 : memref<1x128xi32, #tpu.memory_space<vmem>> -> memref<128xi32, #tpu.memory_space<vmem>>
        %dma_start3A_73 = arith.constant 0 : i32
        %dma_start3A_74 = arith.constant 0 : i32
        %dma_start3A_75 = tpu.memref_slice %arg12[%dma_start3A_73, %dma_start3A_74] : memref<10112x64xf32, #tpu.memory_space<vmem_shared>> -> memref<10112x64xf32, #tpu.memory_space<vmem_shared>>
        tpu.enqueue_indirect_dma source(%arg10 : memref<128x64xf32, #tpu.memory_space<vmem>>) target(%dma_start3A_75 : memref<10112x64xf32, #tpu.memory_space<vmem_shared>>) offsets(%dma_start3A_72 : memref<128xi32, #tpu.memory_space<vmem>>) semaphore(%arg17 : memref<!tpu.dma_semaphore, #tpu.memory_space<semaphore_mem>>) {add = true}
        %add3A_76 = arith.constant 1 : i32
        %add3A_77 = arith.addi %add3A_51, %add3A_76 : i32
        %lt3A_78 = arith.constant 80 : i32
        %lt3A_79 = arith.cmpi slt, %add3A_77, %lt3A_78 : i32
        %convert_element_type3A_80 = arith.extui %lt3A_79 : i1 to i32
        %cond3A_81 = arith.constant 0 : i32
        %cond3A_82 = arith.cmpi ne, %convert_element_type3A_80, %cond3A_81 : i32
        scf.if %cond3A_82 {
          %add3A_83 = arith.constant 1 : i32
          %add3A_84 = arith.addi %add3A_51, %add3A_83 : i32
          %ge3A = arith.constant 3 : i32
          %ge3A_85 = arith.cmpi sge, %add3A_84, %ge3A : i32
          %convert_element_type3A_86 = arith.extui %ge3A_85 : i1 to i32
          %cond3A_87 = arith.constant 0 : i32
          %cond3A_88 = arith.cmpi ne, %convert_element_type3A_86, %cond3A_87 : i32
          scf.if %cond3A_88 {
            %dma_wait3A_97 = arith.constant 0 : i32
            %dma_wait3A_98 = arith.constant 0 : i32
            %dma_wait3A_99 = tpu.memref_slice %arg2[%dma_wait3A_97, %dma_wait3A_98] : memref<10000x64xf32, #tpu.memory_space<hbm>> -> memref<128x64xf32, #tpu.memory_space<hbm>>
            %dma_wait3A_100 = arith.constant 0 : i32
            %dma_wait3A_101 = arith.constant 0 : i32
            %dma_wait3A_102 = tpu.memref_slice %arg2[%dma_wait3A_100, %dma_wait3A_101] : memref<10000x64xf32, #tpu.memory_space<hbm>> -> memref<128x64xf32, #tpu.memory_space<hbm>>
            tpu.wait_dma2 semaphore(%arg18 : memref<!tpu.dma_semaphore, #tpu.memory_space<semaphore_mem>>) src(%dma_wait3A_102 : memref<128x64xf32, #tpu.memory_space<hbm>>) dst(%arg11 : memref<128x64xf32, #tpu.memory_space<vmem>>)
          } else {
          }
          %add3A_89 = arith.constant 1 : i32
          %add3A_90 = arith.addi %add3A_51, %add3A_89 : i32
          %dma_start3A_91 = arith.constant 0 : i32
          %dma_start3A_92 = tpu.memref_slice %arg7[%add3A_90, %dma_start3A_91] : memref<80x128xi32, #tpu.memory_space<vmem>> -> memref<1x128xi32, #tpu.memory_space<vmem>>
          %dma_start3A_93 = tpu.memref_squeeze %dma_start3A_92 : memref<1x128xi32, #tpu.memory_space<vmem>> -> memref<128xi32, #tpu.memory_space<vmem>>
          %dma_start3A_94 = arith.constant 0 : i32
          %dma_start3A_95 = arith.constant 0 : i32
          %dma_start3A_96 = tpu.memref_slice %arg19[%dma_start3A_94, %dma_start3A_95] : memref<10000x64xf32, #tpu.memory_space<vmem_shared>> -> memref<10000x64xf32, #tpu.memory_space<vmem_shared>>
          tpu.enqueue_indirect_dma source(%dma_start3A_96 : memref<10000x64xf32, #tpu.memory_space<vmem_shared>>) target(%arg11 : memref<128x64xf32, #tpu.memory_space<vmem>>) offsets(%dma_start3A_93 : memref<128xi32, #tpu.memory_space<vmem>>) semaphore(%arg15 : memref<!tpu.dma_semaphore, #tpu.memory_space<semaphore_mem>>)
        } else {
        }
      } else {
      }
      %add3A_57 = arith.constant 2 : i32
      %add3A_58 = arith.addi %add3A_45, %add3A_57 : i32
      %lt3A_59 = arith.constant 80 : i32
      %lt3A_60 = arith.cmpi slt, %add3A_58, %lt3A_59 : i32
      %convert_element_type3A_61 = arith.extui %lt3A_60 : i1 to i32
      %cond3A_62 = arith.constant 0 : i32
      %cond3A_63 = arith.cmpi ne, %convert_element_type3A_61, %cond3A_62 : i32
      scf.if %cond3A_63 {
        %dma_wait3A_64 = arith.constant 0 : i32
        %dma_wait3A_65 = arith.constant 0 : i32
        %dma_wait3A_66 = tpu.memref_slice %arg2[%dma_wait3A_64, %dma_wait3A_65] : memref<10000x64xf32, #tpu.memory_space<hbm>> -> memref<128x64xf32, #tpu.memory_space<hbm>>
        %dma_wait3A_67 = arith.constant 0 : i32
        %dma_wait3A_68 = arith.constant 0 : i32
        %dma_wait3A_69 = tpu.memref_slice %arg2[%dma_wait3A_67, %dma_wait3A_68] : memref<10000x64xf32, #tpu.memory_space<hbm>> -> memref<128x64xf32, #tpu.memory_space<hbm>>
        tpu.wait_dma2 semaphore(%arg15 : memref<!tpu.dma_semaphore, #tpu.memory_space<semaphore_mem>>) src(%dma_wait3A_69 : memref<128x64xf32, #tpu.memory_space<hbm>>) dst(%arg11 : memref<128x64xf32, #tpu.memory_space<vmem>>)
        %dma_start3A_70 = arith.constant 0 : i32
        %dma_start3A_71 = tpu.memref_slice %arg8[%add3A_58, %dma_start3A_70] : memref<80x128xi32, #tpu.memory_space<vmem>> -> memref<1x128xi32, #tpu.memory_space<vmem>>
        %dma_start3A_72 = tpu.memref_squeeze %dma_start3A_71 : memref<1x128xi32, #tpu.memory_space<vmem>> -> memref<128xi32, #tpu.memory_space<vmem>>
        %dma_start3A_73 = arith.constant 0 : i32
        %dma_start3A_74 = arith.constant 0 : i32
        %dma_start3A_75 = tpu.memref_slice %arg12[%dma_start3A_73, %dma_start3A_74] : memref<10112x64xf32, #tpu.memory_space<vmem_shared>> -> memref<10112x64xf32, #tpu.memory_space<vmem_shared>>
        tpu.enqueue_indirect_dma source(%arg11 : memref<128x64xf32, #tpu.memory_space<vmem>>) target(%dma_start3A_75 : memref<10112x64xf32, #tpu.memory_space<vmem_shared>>) offsets(%dma_start3A_72 : memref<128xi32, #tpu.memory_space<vmem>>) semaphore(%arg18 : memref<!tpu.dma_semaphore, #tpu.memory_space<semaphore_mem>>) {add = true}
        %add3A_76 = arith.constant 1 : i32
        %add3A_77 = arith.addi %add3A_58, %add3A_76 : i32
        %lt3A_78 = arith.constant 80 : i32
        %lt3A_79 = arith.cmpi slt, %add3A_77, %lt3A_78 : i32
        %convert_element_type3A_80 = arith.extui %lt3A_79 : i1 to i32
        %cond3A_81 = arith.constant 0 : i32
        %cond3A_82 = arith.cmpi ne, %convert_element_type3A_80, %cond3A_81 : i32
        scf.if %cond3A_82 {
          %add3A_83 = arith.constant 1 : i32
          %add3A_84 = arith.addi %add3A_58, %add3A_83 : i32
          %ge3A = arith.constant 3 : i32
          %ge3A_85 = arith.cmpi sge, %add3A_84, %ge3A : i32
          %convert_element_type3A_86 = arith.extui %ge3A_85 : i1 to i32
          %cond3A_87 = arith.constant 0 : i32
          %cond3A_88 = arith.cmpi ne, %convert_element_type3A_86, %cond3A_87 : i32
          scf.if %cond3A_88 {
            %dma_wait3A_97 = arith.constant 0 : i32
            %dma_wait3A_98 = arith.constant 0 : i32
            %dma_wait3A_99 = tpu.memref_slice %arg2[%dma_wait3A_97, %dma_wait3A_98] : memref<10000x64xf32, #tpu.memory_space<hbm>> -> memref<128x64xf32, #tpu.memory_space<hbm>>
            %dma_wait3A_100 = arith.constant 0 : i32
            %dma_wait3A_101 = arith.constant 0 : i32
            %dma_wait3A_102 = tpu.memref_slice %arg2[%dma_wait3A_100, %dma_wait3A_101] : memref<10000x64xf32, #tpu.memory_space<hbm>> -> memref<128x64xf32, #tpu.memory_space<hbm>>
            tpu.wait_dma2 semaphore(%arg16 : memref<!tpu.dma_semaphore, #tpu.memory_space<semaphore_mem>>) src(%dma_wait3A_102 : memref<128x64xf32, #tpu.memory_space<hbm>>) dst(%arg9 : memref<128x64xf32, #tpu.memory_space<vmem>>)
          } else {
          }
          %add3A_89 = arith.constant 1 : i32
          %add3A_90 = arith.addi %add3A_58, %add3A_89 : i32
          %dma_start3A_91 = arith.constant 0 : i32
          %dma_start3A_92 = tpu.memref_slice %arg7[%add3A_90, %dma_start3A_91] : memref<80x128xi32, #tpu.memory_space<vmem>> -> memref<1x128xi32, #tpu.memory_space<vmem>>
          %dma_start3A_93 = tpu.memref_squeeze %dma_start3A_92 : memref<1x128xi32, #tpu.memory_space<vmem>> -> memref<128xi32, #tpu.memory_space<vmem>>
          %dma_start3A_94 = arith.constant 0 : i32
          %dma_start3A_95 = arith.constant 0 : i32
          %dma_start3A_96 = tpu.memref_slice %arg19[%dma_start3A_94, %dma_start3A_95] : memref<10000x64xf32, #tpu.memory_space<vmem_shared>> -> memref<10000x64xf32, #tpu.memory_space<vmem_shared>>
          tpu.enqueue_indirect_dma source(%dma_start3A_96 : memref<10000x64xf32, #tpu.memory_space<vmem_shared>>) target(%arg9 : memref<128x64xf32, #tpu.memory_space<vmem>>) offsets(%dma_start3A_93 : memref<128xi32, #tpu.memory_space<vmem>>) semaphore(%arg13 : memref<!tpu.dma_semaphore, #tpu.memory_space<semaphore_mem>>)
        } else {
        }
      } else {
      }
    }
    %scan3A_18 = arith.constant 27 : i32
    %dma_wait3A = arith.constant 0 : i32
    %dma_wait3A_19 = arith.constant 0 : i32
    %dma_wait3A_20 = tpu.memref_slice %arg2[%dma_wait3A, %dma_wait3A_19] : memref<10000x64xf32, #tpu.memory_space<hbm>> -> memref<128x64xf32, #tpu.memory_space<hbm>>
    %dma_wait3A_21 = arith.constant 0 : i32
    %dma_wait3A_22 = arith.constant 0 : i32
    %dma_wait3A_23 = tpu.memref_slice %arg2[%dma_wait3A_21, %dma_wait3A_22] : memref<10000x64xf32, #tpu.memory_space<hbm>> -> memref<128x64xf32, #tpu.memory_space<hbm>>
    tpu.wait_dma2 semaphore(%arg16 : memref<!tpu.dma_semaphore, #tpu.memory_space<semaphore_mem>>) src(%dma_wait3A_23 : memref<128x64xf32, #tpu.memory_space<hbm>>) dst(%arg9 : memref<128x64xf32, #tpu.memory_space<vmem>>)
    %dma_wait3A_24 = arith.constant 0 : i32
    %dma_wait3A_25 = arith.constant 0 : i32
    %dma_wait3A_26 = tpu.memref_slice %arg2[%dma_wait3A_24, %dma_wait3A_25] : memref<10000x64xf32, #tpu.memory_space<hbm>> -> memref<128x64xf32, #tpu.memory_space<hbm>>
    %dma_wait3A_27 = arith.constant 0 : i32
    %dma_wait3A_28 = arith.constant 0 : i32
    %dma_wait3A_29 = tpu.memref_slice %arg2[%dma_wait3A_27, %dma_wait3A_28] : memref<10000x64xf32, #tpu.memory_space<hbm>> -> memref<128x64xf32, #tpu.memory_space<hbm>>
    tpu.wait_dma2 semaphore(%arg17 : memref<!tpu.dma_semaphore, #tpu.memory_space<semaphore_mem>>) src(%dma_wait3A_29 : memref<128x64xf32, #tpu.memory_space<hbm>>) dst(%arg10 : memref<128x64xf32, #tpu.memory_space<vmem>>)
    %dma_wait3A_30 = arith.constant 0 : i32
    %dma_wait3A_31 = arith.constant 0 : i32
    %dma_wait3A_32 = tpu.memref_slice %arg2[%dma_wait3A_30, %dma_wait3A_31] : memref<10000x64xf32, #tpu.memory_space<hbm>> -> memref<128x64xf32, #tpu.memory_space<hbm>>
    %dma_wait3A_33 = arith.constant 0 : i32
    %dma_wait3A_34 = arith.constant 0 : i32
    %dma_wait3A_35 = tpu.memref_slice %arg2[%dma_wait3A_33, %dma_wait3A_34] : memref<10000x64xf32, #tpu.memory_space<hbm>> -> memref<128x64xf32, #tpu.memory_space<hbm>>
    tpu.wait_dma2 semaphore(%arg18 : memref<!tpu.dma_semaphore, #tpu.memory_space<semaphore_mem>>) src(%dma_wait3A_35 : memref<128x64xf32, #tpu.memory_space<hbm>>) dst(%arg11 : memref<128x64xf32, #tpu.memory_space<vmem>>)
    %barrier3A_36 = arith.constant 0 : index
    tpu.barrier barrier_id(%barrier3A_36)
    %mul3A_37 = arith.constant 632 : i32
    %mul3A_38 = arith.muli %arg1, %mul3A_37 : i32
    %mul3A_39 = arith.constant 632 : i32
    %mul3A_40 = arith.muli %arg1, %mul3A_39 : i32
    "tpu.region"() ({
      %run_scoped3A = tpu.sem_alloc : memref<!tpu.dma_semaphore, #tpu.memory_space<semaphore_mem>>
      %dma_start3A_41 = arith.constant 0 : i32
      %dma_start3A_42 = tpu.memref_slice %arg6[%arg0, %mul3A_40, %dma_start3A_41] : memref<2x10112x64xf32, #tpu.memory_space<hbm>> -> memref<1x632x64xf32, #tpu.memory_space<hbm>>
      %dma_start3A_43 = tpu.memref_squeeze %dma_start3A_42 : memref<1x632x64xf32, #tpu.memory_space<hbm>> -> memref<632x64xf32, #tpu.memory_space<hbm>>
      %dma_start3A_44 = arith.constant 0 : i32
      %dma_start3A_45 = tpu.memref_slice %arg12[%mul3A_38, %dma_start3A_44] : memref<10112x64xf32, #tpu.memory_space<vmem_shared>> -> memref<632x64xf32, #tpu.memory_space<vmem_shared>>
      tpu.enqueue_dma source(%dma_start3A_45 : memref<632x64xf32, #tpu.memory_space<vmem_shared>>) target(%dma_start3A_43 : memref<632x64xf32, #tpu.memory_space<hbm>>) target_semaphore(%run_scoped3A : memref<!tpu.dma_semaphore, #tpu.memory_space<semaphore_mem>>)
      %dma_wait3A_46 = arith.constant 0 : i32
      %dma_wait3A_47 = tpu.memref_slice %arg6[%arg0, %mul3A_40, %dma_wait3A_46] : memref<2x10112x64xf32, #tpu.memory_space<hbm>> -> memref<1x632x64xf32, #tpu.memory_space<hbm>>
      %dma_wait3A_48 = tpu.memref_squeeze %dma_wait3A_47 : memref<1x632x64xf32, #tpu.memory_space<hbm>> -> memref<632x64xf32, #tpu.memory_space<hbm>>
      %dma_wait3A_49 = arith.constant 0 : i32
      %dma_wait3A_50 = tpu.memref_slice %arg12[%mul3A_38, %dma_wait3A_49] : memref<10112x64xf32, #tpu.memory_space<vmem_shared>> -> memref<632x64xf32, #tpu.memory_space<vmem_shared>>
      tpu.wait_dma2 semaphore(%run_scoped3A : memref<!tpu.dma_semaphore, #tpu.memory_space<semaphore_mem>>) src(%dma_wait3A_50 : memref<632x64xf32, #tpu.memory_space<vmem_shared>>) dst(%dma_wait3A_48 : memref<632x64xf32, #tpu.memory_space<hbm>>)
      tpu.yield
    }) : () -> ()
    return
  }
}

#map = affine_map<(d0, d1) -> (0, 0)>
#map1 = affine_map<(d0, d1) -> (0, 0, 0)>
module attributes {stable_mosaic.version = 14 : i64} {
  func.func @k(%arg0: i32, %arg1: i32, %arg2: memref<10000x32xf32, #tpu.memory_space<hbm>>, %arg3: memref<32x80x128xi32, #tpu.memory_space<hbm>>, %arg4: memref<32x80x128xi32, #tpu.memory_space<hbm>>, %arg5: memref<10112x32xf32, #tpu.memory_space<hbm>>, %arg6: memref<2x10112x32xf32, #tpu.memory_space<hbm>>, %arg7: memref<80x128xi32, #tpu.memory_space<vmem>>, %arg8: memref<80x128xi32, #tpu.memory_space<vmem>>, %arg9: memref<128x32xf32, #tpu.memory_space<vmem>>, %arg10: memref<128x32xf32, #tpu.memory_space<vmem>>, %arg11: memref<128x32xf32, #tpu.memory_space<vmem>>, %arg12: memref<10112x32xf32, #tpu.memory_space<vmem_shared>>, %arg13: memref<!tpu.dma_semaphore, #tpu.memory_space<semaphore_mem>>, %arg14: memref<!tpu.dma_semaphore, #tpu.memory_space<semaphore_mem>>, %arg15: memref<!tpu.dma_semaphore, #tpu.memory_space<semaphore_mem>>, %arg16: memref<!tpu.dma_semaphore, #tpu.memory_space<semaphore_mem>>, %arg17: memref<!tpu.dma_semaphore, #tpu.memory_space<semaphore_mem>>, %arg18: memref<!tpu.dma_semaphore, #tpu.memory_space<semaphore_mem>>, %arg19: memref<10000x32xf32, #tpu.memory_space<vmem_shared>>) attributes {dimension_semantics = [#tpu.dimension_semantics<core_parallel>, #tpu.dimension_semantics<subcore_parallel>], iteration_bounds = array<i64: 2, 16>, scalar_prefetch = 0 : i64, scratch_operands = 13 : i64, tpu.core_type = #tpu.core_type<sc_vector_subcore>, window_params = [{transform_indices = #map}, {transform_indices = #map1}, {transform_indices = #map1}, {transform_indices = #map}, {transform_indices = #map1}]} {
    %mul3A = arith.constant 16 : i32
    %mul3A_0 = arith.muli %arg0, %mul3A : i32
    %add3A = arith.addi %mul3A_0, %arg1 : i32
    "tpu.region"() ({
      %run_scoped3A = tpu.sem_alloc : memref<!tpu.dma_semaphore, #tpu.memory_space<semaphore_mem>>
      %dma_start3A_41 = arith.constant 0 : i32
      %dma_start3A_42 = arith.constant 0 : i32
      %dma_start3A_43 = tpu.memref_slice %arg3[%add3A, %dma_start3A_41, %dma_start3A_42] : memref<32x80x128xi32, #tpu.memory_space<hbm>> -> memref<1x80x128xi32, #tpu.memory_space<hbm>>
      %dma_start3A_44 = tpu.memref_squeeze %dma_start3A_43 : memref<1x80x128xi32, #tpu.memory_space<hbm>> -> memref<80x128xi32, #tpu.memory_space<hbm>>
      %dma_start3A_45 = arith.constant 0 : i32
      %dma_start3A_46 = arith.constant 0 : i32
      %dma_start3A_47 = tpu.memref_slice %arg3[%add3A, %dma_start3A_45, %dma_start3A_46] : memref<32x80x128xi32, #tpu.memory_space<hbm>> -> memref<1x80x128xi32, #tpu.memory_space<hbm>>
      %dma_start3A_48 = tpu.memref_squeeze %dma_start3A_47 : memref<1x80x128xi32, #tpu.memory_space<hbm>> -> memref<80x128xi32, #tpu.memory_space<hbm>>
      tpu.enqueue_dma source(%dma_start3A_48 : memref<80x128xi32, #tpu.memory_space<hbm>>) target(%arg7 : memref<80x128xi32, #tpu.memory_space<vmem>>) target_semaphore(%run_scoped3A : memref<!tpu.dma_semaphore, #tpu.memory_space<semaphore_mem>>)
      %dma_wait3A_49 = arith.constant 0 : i32
      %dma_wait3A_50 = arith.constant 0 : i32
      %dma_wait3A_51 = tpu.memref_slice %arg3[%add3A, %dma_wait3A_49, %dma_wait3A_50] : memref<32x80x128xi32, #tpu.memory_space<hbm>> -> memref<1x80x128xi32, #tpu.memory_space<hbm>>
      %dma_wait3A_52 = tpu.memref_squeeze %dma_wait3A_51 : memref<1x80x128xi32, #tpu.memory_space<hbm>> -> memref<80x128xi32, #tpu.memory_space<hbm>>
      %dma_wait3A_53 = arith.constant 0 : i32
      %dma_wait3A_54 = arith.constant 0 : i32
      %dma_wait3A_55 = tpu.memref_slice %arg3[%add3A, %dma_wait3A_53, %dma_wait3A_54] : memref<32x80x128xi32, #tpu.memory_space<hbm>> -> memref<1x80x128xi32, #tpu.memory_space<hbm>>
      %dma_wait3A_56 = tpu.memref_squeeze %dma_wait3A_55 : memref<1x80x128xi32, #tpu.memory_space<hbm>> -> memref<80x128xi32, #tpu.memory_space<hbm>>
      tpu.wait_dma2 semaphore(%run_scoped3A : memref<!tpu.dma_semaphore, #tpu.memory_space<semaphore_mem>>) src(%dma_wait3A_56 : memref<80x128xi32, #tpu.memory_space<hbm>>) dst(%arg7 : memref<80x128xi32, #tpu.memory_space<vmem>>)
      tpu.yield
    }) : () -> ()
    "tpu.region"() ({
      %run_scoped3A = tpu.sem_alloc : memref<!tpu.dma_semaphore, #tpu.memory_space<semaphore_mem>>
      %dma_start3A_41 = arith.constant 0 : i32
      %dma_start3A_42 = arith.constant 0 : i32
      %dma_start3A_43 = tpu.memref_slice %arg4[%add3A, %dma_start3A_41, %dma_start3A_42] : memref<32x80x128xi32, #tpu.memory_space<hbm>> -> memref<1x80x128xi32, #tpu.memory_space<hbm>>
      %dma_start3A_44 = tpu.memref_squeeze %dma_start3A_43 : memref<1x80x128xi32, #tpu.memory_space<hbm>> -> memref<80x128xi32, #tpu.memory_space<hbm>>
      %dma_start3A_45 = arith.constant 0 : i32
      %dma_start3A_46 = arith.constant 0 : i32
      %dma_start3A_47 = tpu.memref_slice %arg4[%add3A, %dma_start3A_45, %dma_start3A_46] : memref<32x80x128xi32, #tpu.memory_space<hbm>> -> memref<1x80x128xi32, #tpu.memory_space<hbm>>
      %dma_start3A_48 = tpu.memref_squeeze %dma_start3A_47 : memref<1x80x128xi32, #tpu.memory_space<hbm>> -> memref<80x128xi32, #tpu.memory_space<hbm>>
      tpu.enqueue_dma source(%dma_start3A_48 : memref<80x128xi32, #tpu.memory_space<hbm>>) target(%arg8 : memref<80x128xi32, #tpu.memory_space<vmem>>) target_semaphore(%run_scoped3A : memref<!tpu.dma_semaphore, #tpu.memory_space<semaphore_mem>>)
      %dma_wait3A_49 = arith.constant 0 : i32
      %dma_wait3A_50 = arith.constant 0 : i32
      %dma_wait3A_51 = tpu.memref_slice %arg4[%add3A, %dma_wait3A_49, %dma_wait3A_50] : memref<32x80x128xi32, #tpu.memory_space<hbm>> -> memref<1x80x128xi32, #tpu.memory_space<hbm>>
      %dma_wait3A_52 = tpu.memref_squeeze %dma_wait3A_51 : memref<1x80x128xi32, #tpu.memory_space<hbm>> -> memref<80x128xi32, #tpu.memory_space<hbm>>
      %dma_wait3A_53 = arith.constant 0 : i32
      %dma_wait3A_54 = arith.constant 0 : i32
      %dma_wait3A_55 = tpu.memref_slice %arg4[%add3A, %dma_wait3A_53, %dma_wait3A_54] : memref<32x80x128xi32, #tpu.memory_space<hbm>> -> memref<1x80x128xi32, #tpu.memory_space<hbm>>
      %dma_wait3A_56 = tpu.memref_squeeze %dma_wait3A_55 : memref<1x80x128xi32, #tpu.memory_space<hbm>> -> memref<80x128xi32, #tpu.memory_space<hbm>>
      tpu.wait_dma2 semaphore(%run_scoped3A : memref<!tpu.dma_semaphore, #tpu.memory_space<semaphore_mem>>) src(%dma_wait3A_56 : memref<80x128xi32, #tpu.memory_space<hbm>>) dst(%arg8 : memref<80x128xi32, #tpu.memory_space<vmem>>)
      tpu.yield
    }) : () -> ()
    %mul3A_1 = arith.constant 632 : i32
    %mul3A_2 = arith.muli %arg1, %mul3A_1 : i32
    %mul3A_3 = arith.constant 632 : i32
    %mul3A_4 = arith.muli %arg1, %mul3A_3 : i32
    "tpu.region"() ({
      %run_scoped3A = tpu.sem_alloc : memref<!tpu.dma_semaphore, #tpu.memory_space<semaphore_mem>>
      %dma_start3A_41 = arith.constant 0 : i32
      %dma_start3A_42 = tpu.memref_slice %arg12[%mul3A_4, %dma_start3A_41] : memref<10112x32xf32, #tpu.memory_space<vmem_shared>> -> memref<632x32xf32, #tpu.memory_space<vmem_shared>>
      %dma_start3A_43 = arith.constant 0 : i32
      %dma_start3A_44 = tpu.memref_slice %arg5[%mul3A_2, %dma_start3A_43] : memref<10112x32xf32, #tpu.memory_space<hbm>> -> memref<632x32xf32, #tpu.memory_space<hbm>>
      tpu.enqueue_dma source(%dma_start3A_44 : memref<632x32xf32, #tpu.memory_space<hbm>>) target(%dma_start3A_42 : memref<632x32xf32, #tpu.memory_space<vmem_shared>>) target_semaphore(%run_scoped3A : memref<!tpu.dma_semaphore, #tpu.memory_space<semaphore_mem>>)
      %dma_wait3A_45 = arith.constant 0 : i32
      %dma_wait3A_46 = tpu.memref_slice %arg12[%mul3A_4, %dma_wait3A_45] : memref<10112x32xf32, #tpu.memory_space<vmem_shared>> -> memref<632x32xf32, #tpu.memory_space<vmem_shared>>
      %dma_wait3A_47 = arith.constant 0 : i32
      %dma_wait3A_48 = tpu.memref_slice %arg5[%mul3A_2, %dma_wait3A_47] : memref<10112x32xf32, #tpu.memory_space<hbm>> -> memref<632x32xf32, #tpu.memory_space<hbm>>
      tpu.wait_dma2 semaphore(%run_scoped3A : memref<!tpu.dma_semaphore, #tpu.memory_space<semaphore_mem>>) src(%dma_wait3A_48 : memref<632x32xf32, #tpu.memory_space<hbm>>) dst(%dma_wait3A_46 : memref<632x32xf32, #tpu.memory_space<vmem_shared>>)
      tpu.yield
    }) : () -> ()
    %mul3A_5 = arith.constant 625 : i32
    %mul3A_6 = arith.muli %arg1, %mul3A_5 : i32
    %mul3A_7 = arith.constant 625 : i32
    %mul3A_8 = arith.muli %arg1, %mul3A_7 : i32
    "tpu.region"() ({
      %run_scoped3A = tpu.sem_alloc : memref<!tpu.dma_semaphore, #tpu.memory_space<semaphore_mem>>
      %dma_start3A_41 = arith.constant 0 : i32
      %dma_start3A_42 = tpu.memref_slice %arg19[%mul3A_8, %dma_start3A_41] : memref<10000x32xf32, #tpu.memory_space<vmem_shared>> -> memref<625x32xf32, #tpu.memory_space<vmem_shared>>
      %dma_start3A_43 = arith.constant 0 : i32
      %dma_start3A_44 = tpu.memref_slice %arg2[%mul3A_6, %dma_start3A_43] : memref<10000x32xf32, #tpu.memory_space<hbm>> -> memref<625x32xf32, #tpu.memory_space<hbm>>
      tpu.enqueue_dma source(%dma_start3A_44 : memref<625x32xf32, #tpu.memory_space<hbm>>) target(%dma_start3A_42 : memref<625x32xf32, #tpu.memory_space<vmem_shared>>) target_semaphore(%run_scoped3A : memref<!tpu.dma_semaphore, #tpu.memory_space<semaphore_mem>>)
      %dma_wait3A_45 = arith.constant 0 : i32
      %dma_wait3A_46 = tpu.memref_slice %arg19[%mul3A_8, %dma_wait3A_45] : memref<10000x32xf32, #tpu.memory_space<vmem_shared>> -> memref<625x32xf32, #tpu.memory_space<vmem_shared>>
      %dma_wait3A_47 = arith.constant 0 : i32
      %dma_wait3A_48 = tpu.memref_slice %arg2[%mul3A_6, %dma_wait3A_47] : memref<10000x32xf32, #tpu.memory_space<hbm>> -> memref<625x32xf32, #tpu.memory_space<hbm>>
      tpu.wait_dma2 semaphore(%run_scoped3A : memref<!tpu.dma_semaphore, #tpu.memory_space<semaphore_mem>>) src(%dma_wait3A_48 : memref<625x32xf32, #tpu.memory_space<hbm>>) dst(%dma_wait3A_46 : memref<625x32xf32, #tpu.memory_space<vmem_shared>>)
      tpu.yield
    }) : () -> ()
    %barrier3A = arith.constant 0 : index
    tpu.barrier barrier_id(%barrier3A)
    %dma_start3A = arith.constant 0 : i32
    %dma_start3A_9 = arith.constant 0 : i32
    %dma_start3A_10 = tpu.memref_slice %arg7[%dma_start3A, %dma_start3A_9] : memref<80x128xi32, #tpu.memory_space<vmem>> -> memref<1x128xi32, #tpu.memory_space<vmem>>
    %dma_start3A_11 = tpu.memref_squeeze %dma_start3A_10 : memref<1x128xi32, #tpu.memory_space<vmem>> -> memref<128xi32, #tpu.memory_space<vmem>>
    %dma_start3A_12 = arith.constant 0 : i32
    %dma_start3A_13 = arith.constant 0 : i32
    %dma_start3A_14 = tpu.memref_slice %arg19[%dma_start3A_12, %dma_start3A_13] : memref<10000x32xf32, #tpu.memory_space<vmem_shared>> -> memref<10000x32xf32, #tpu.memory_space<vmem_shared>>
    tpu.enqueue_indirect_dma source(%dma_start3A_14 : memref<10000x32xf32, #tpu.memory_space<vmem_shared>>) target(%arg9 : memref<128x32xf32, #tpu.memory_space<vmem>>) offsets(%dma_start3A_11 : memref<128xi32, #tpu.memory_space<vmem>>) semaphore(%arg13 : memref<!tpu.dma_semaphore, #tpu.memory_space<semaphore_mem>>)
    %scan3A = arith.constant 0 : i32
    %scan3A_15 = arith.constant 27 : i32
    %scan3A_16 = arith.addi %scan3A, %scan3A_15 : i32
    %scan3A_17 = arith.constant 1 : i32
    scf.for %scan3A_41 = %scan3A to %scan3A_16 step %scan3A_17  : i32 {
      %mul3A_42 = arith.constant 3 : i32
      %mul3A_43 = arith.muli %scan3A_41, %mul3A_42 : i32
      %add3A_44 = arith.constant 0 : i32
      %add3A_45 = arith.addi %add3A_44, %mul3A_43 : i32
      %add3A_46 = arith.constant 0 : i32
      %add3A_47 = arith.addi %add3A_45, %add3A_46 : i32
      %lt3A = arith.constant 80 : i32
      %lt3A_48 = arith.cmpi slt, %add3A_47, %lt3A : i32
      %convert_element_type3A = arith.extui %lt3A_48 : i1 to i32
      %cond3A = arith.constant 0 : i32
      %cond3A_49 = arith.cmpi ne, %convert_element_type3A, %cond3A : i32
      scf.if %cond3A_49 {
        %dma_wait3A_64 = arith.constant 0 : i32
        %dma_wait3A_65 = arith.constant 0 : i32
        %dma_wait3A_66 = tpu.memref_slice %arg2[%dma_wait3A_64, %dma_wait3A_65] : memref<10000x32xf32, #tpu.memory_space<hbm>> -> memref<128x32xf32, #tpu.memory_space<hbm>>
        %dma_wait3A_67 = arith.constant 0 : i32
        %dma_wait3A_68 = arith.constant 0 : i32
        %dma_wait3A_69 = tpu.memref_slice %arg2[%dma_wait3A_67, %dma_wait3A_68] : memref<10000x32xf32, #tpu.memory_space<hbm>> -> memref<128x32xf32, #tpu.memory_space<hbm>>
        tpu.wait_dma2 semaphore(%arg13 : memref<!tpu.dma_semaphore, #tpu.memory_space<semaphore_mem>>) src(%dma_wait3A_69 : memref<128x32xf32, #tpu.memory_space<hbm>>) dst(%arg9 : memref<128x32xf32, #tpu.memory_space<vmem>>)
        %dma_start3A_70 = arith.constant 0 : i32
        %dma_start3A_71 = tpu.memref_slice %arg8[%add3A_47, %dma_start3A_70] : memref<80x128xi32, #tpu.memory_space<vmem>> -> memref<1x128xi32, #tpu.memory_space<vmem>>
        %dma_start3A_72 = tpu.memref_squeeze %dma_start3A_71 : memref<1x128xi32, #tpu.memory_space<vmem>> -> memref<128xi32, #tpu.memory_space<vmem>>
        %dma_start3A_73 = arith.constant 0 : i32
        %dma_start3A_74 = arith.constant 0 : i32
        %dma_start3A_75 = tpu.memref_slice %arg12[%dma_start3A_73, %dma_start3A_74] : memref<10112x32xf32, #tpu.memory_space<vmem_shared>> -> memref<10112x32xf32, #tpu.memory_space<vmem_shared>>
        tpu.enqueue_indirect_dma source(%arg9 : memref<128x32xf32, #tpu.memory_space<vmem>>) target(%dma_start3A_75 : memref<10112x32xf32, #tpu.memory_space<vmem_shared>>) offsets(%dma_start3A_72 : memref<128xi32, #tpu.memory_space<vmem>>) semaphore(%arg16 : memref<!tpu.dma_semaphore, #tpu.memory_space<semaphore_mem>>) {add = true}
        %add3A_76 = arith.constant 1 : i32
        %add3A_77 = arith.addi %add3A_47, %add3A_76 : i32
        %lt3A_78 = arith.constant 80 : i32
        %lt3A_79 = arith.cmpi slt, %add3A_77, %lt3A_78 : i32
        %convert_element_type3A_80 = arith.extui %lt3A_79 : i1 to i32
        %cond3A_81 = arith.constant 0 : i32
        %cond3A_82 = arith.cmpi ne, %convert_element_type3A_80, %cond3A_81 : i32
        scf.if %cond3A_82 {
          %add3A_83 = arith.constant 1 : i32
          %add3A_84 = arith.addi %add3A_47, %add3A_83 : i32
          %ge3A = arith.constant 3 : i32
          %ge3A_85 = arith.cmpi sge, %add3A_84, %ge3A : i32
          %convert_element_type3A_86 = arith.extui %ge3A_85 : i1 to i32
          %cond3A_87 = arith.constant 0 : i32
          %cond3A_88 = arith.cmpi ne, %convert_element_type3A_86, %cond3A_87 : i32
          scf.if %cond3A_88 {
            %dma_wait3A_97 = arith.constant 0 : i32
            %dma_wait3A_98 = arith.constant 0 : i32
            %dma_wait3A_99 = tpu.memref_slice %arg2[%dma_wait3A_97, %dma_wait3A_98] : memref<10000x32xf32, #tpu.memory_space<hbm>> -> memref<128x32xf32, #tpu.memory_space<hbm>>
            %dma_wait3A_100 = arith.constant 0 : i32
            %dma_wait3A_101 = arith.constant 0 : i32
            %dma_wait3A_102 = tpu.memref_slice %arg2[%dma_wait3A_100, %dma_wait3A_101] : memref<10000x32xf32, #tpu.memory_space<hbm>> -> memref<128x32xf32, #tpu.memory_space<hbm>>
            tpu.wait_dma2 semaphore(%arg17 : memref<!tpu.dma_semaphore, #tpu.memory_space<semaphore_mem>>) src(%dma_wait3A_102 : memref<128x32xf32, #tpu.memory_space<hbm>>) dst(%arg10 : memref<128x32xf32, #tpu.memory_space<vmem>>)
          } else {
          }
          %add3A_89 = arith.constant 1 : i32
          %add3A_90 = arith.addi %add3A_47, %add3A_89 : i32
          %dma_start3A_91 = arith.constant 0 : i32
          %dma_start3A_92 = tpu.memref_slice %arg7[%add3A_90, %dma_start3A_91] : memref<80x128xi32, #tpu.memory_space<vmem>> -> memref<1x128xi32, #tpu.memory_space<vmem>>
          %dma_start3A_93 = tpu.memref_squeeze %dma_start3A_92 : memref<1x128xi32, #tpu.memory_space<vmem>> -> memref<128xi32, #tpu.memory_space<vmem>>
          %dma_start3A_94 = arith.constant 0 : i32
          %dma_start3A_95 = arith.constant 0 : i32
          %dma_start3A_96 = tpu.memref_slice %arg19[%dma_start3A_94, %dma_start3A_95] : memref<10000x32xf32, #tpu.memory_space<vmem_shared>> -> memref<10000x32xf32, #tpu.memory_space<vmem_shared>>
          tpu.enqueue_indirect_dma source(%dma_start3A_96 : memref<10000x32xf32, #tpu.memory_space<vmem_shared>>) target(%arg10 : memref<128x32xf32, #tpu.memory_space<vmem>>) offsets(%dma_start3A_93 : memref<128xi32, #tpu.memory_space<vmem>>) semaphore(%arg14 : memref<!tpu.dma_semaphore, #tpu.memory_space<semaphore_mem>>)
        } else {
        }
      } else {
      }
      %add3A_50 = arith.constant 1 : i32
      %add3A_51 = arith.addi %add3A_45, %add3A_50 : i32
      %lt3A_52 = arith.constant 80 : i32
      %lt3A_53 = arith.cmpi slt, %add3A_51, %lt3A_52 : i32
      %convert_element_type3A_54 = arith.extui %lt3A_53 : i1 to i32
      %cond3A_55 = arith.constant 0 : i32
      %cond3A_56 = arith.cmpi ne, %convert_element_type3A_54, %cond3A_55 : i32
      scf.if %cond3A_56 {
        %dma_wait3A_64 = arith.constant 0 : i32
        %dma_wait3A_65 = arith.constant 0 : i32
        %dma_wait3A_66 = tpu.memref_slice %arg2[%dma_wait3A_64, %dma_wait3A_65] : memref<10000x32xf32, #tpu.memory_space<hbm>> -> memref<128x32xf32, #tpu.memory_space<hbm>>
        %dma_wait3A_67 = arith.constant 0 : i32
        %dma_wait3A_68 = arith.constant 0 : i32
        %dma_wait3A_69 = tpu.memref_slice %arg2[%dma_wait3A_67, %dma_wait3A_68] : memref<10000x32xf32, #tpu.memory_space<hbm>> -> memref<128x32xf32, #tpu.memory_space<hbm>>
        tpu.wait_dma2 semaphore(%arg14 : memref<!tpu.dma_semaphore, #tpu.memory_space<semaphore_mem>>) src(%dma_wait3A_69 : memref<128x32xf32, #tpu.memory_space<hbm>>) dst(%arg10 : memref<128x32xf32, #tpu.memory_space<vmem>>)
        %dma_start3A_70 = arith.constant 0 : i32
        %dma_start3A_71 = tpu.memref_slice %arg8[%add3A_51, %dma_start3A_70] : memref<80x128xi32, #tpu.memory_space<vmem>> -> memref<1x128xi32, #tpu.memory_space<vmem>>
        %dma_start3A_72 = tpu.memref_squeeze %dma_start3A_71 : memref<1x128xi32, #tpu.memory_space<vmem>> -> memref<128xi32, #tpu.memory_space<vmem>>
        %dma_start3A_73 = arith.constant 0 : i32
        %dma_start3A_74 = arith.constant 0 : i32
        %dma_start3A_75 = tpu.memref_slice %arg12[%dma_start3A_73, %dma_start3A_74] : memref<10112x32xf32, #tpu.memory_space<vmem_shared>> -> memref<10112x32xf32, #tpu.memory_space<vmem_shared>>
        tpu.enqueue_indirect_dma source(%arg10 : memref<128x32xf32, #tpu.memory_space<vmem>>) target(%dma_start3A_75 : memref<10112x32xf32, #tpu.memory_space<vmem_shared>>) offsets(%dma_start3A_72 : memref<128xi32, #tpu.memory_space<vmem>>) semaphore(%arg17 : memref<!tpu.dma_semaphore, #tpu.memory_space<semaphore_mem>>) {add = true}
        %add3A_76 = arith.constant 1 : i32
        %add3A_77 = arith.addi %add3A_51, %add3A_76 : i32
        %lt3A_78 = arith.constant 80 : i32
        %lt3A_79 = arith.cmpi slt, %add3A_77, %lt3A_78 : i32
        %convert_element_type3A_80 = arith.extui %lt3A_79 : i1 to i32
        %cond3A_81 = arith.constant 0 : i32
        %cond3A_82 = arith.cmpi ne, %convert_element_type3A_80, %cond3A_81 : i32
        scf.if %cond3A_82 {
          %add3A_83 = arith.constant 1 : i32
          %add3A_84 = arith.addi %add3A_51, %add3A_83 : i32
          %ge3A = arith.constant 3 : i32
          %ge3A_85 = arith.cmpi sge, %add3A_84, %ge3A : i32
          %convert_element_type3A_86 = arith.extui %ge3A_85 : i1 to i32
          %cond3A_87 = arith.constant 0 : i32
          %cond3A_88 = arith.cmpi ne, %convert_element_type3A_86, %cond3A_87 : i32
          scf.if %cond3A_88 {
            %dma_wait3A_97 = arith.constant 0 : i32
            %dma_wait3A_98 = arith.constant 0 : i32
            %dma_wait3A_99 = tpu.memref_slice %arg2[%dma_wait3A_97, %dma_wait3A_98] : memref<10000x32xf32, #tpu.memory_space<hbm>> -> memref<128x32xf32, #tpu.memory_space<hbm>>
            %dma_wait3A_100 = arith.constant 0 : i32
            %dma_wait3A_101 = arith.constant 0 : i32
            %dma_wait3A_102 = tpu.memref_slice %arg2[%dma_wait3A_100, %dma_wait3A_101] : memref<10000x32xf32, #tpu.memory_space<hbm>> -> memref<128x32xf32, #tpu.memory_space<hbm>>
            tpu.wait_dma2 semaphore(%arg18 : memref<!tpu.dma_semaphore, #tpu.memory_space<semaphore_mem>>) src(%dma_wait3A_102 : memref<128x32xf32, #tpu.memory_space<hbm>>) dst(%arg11 : memref<128x32xf32, #tpu.memory_space<vmem>>)
          } else {
          }
          %add3A_89 = arith.constant 1 : i32
          %add3A_90 = arith.addi %add3A_51, %add3A_89 : i32
          %dma_start3A_91 = arith.constant 0 : i32
          %dma_start3A_92 = tpu.memref_slice %arg7[%add3A_90, %dma_start3A_91] : memref<80x128xi32, #tpu.memory_space<vmem>> -> memref<1x128xi32, #tpu.memory_space<vmem>>
          %dma_start3A_93 = tpu.memref_squeeze %dma_start3A_92 : memref<1x128xi32, #tpu.memory_space<vmem>> -> memref<128xi32, #tpu.memory_space<vmem>>
          %dma_start3A_94 = arith.constant 0 : i32
          %dma_start3A_95 = arith.constant 0 : i32
          %dma_start3A_96 = tpu.memref_slice %arg19[%dma_start3A_94, %dma_start3A_95] : memref<10000x32xf32, #tpu.memory_space<vmem_shared>> -> memref<10000x32xf32, #tpu.memory_space<vmem_shared>>
          tpu.enqueue_indirect_dma source(%dma_start3A_96 : memref<10000x32xf32, #tpu.memory_space<vmem_shared>>) target(%arg11 : memref<128x32xf32, #tpu.memory_space<vmem>>) offsets(%dma_start3A_93 : memref<128xi32, #tpu.memory_space<vmem>>) semaphore(%arg15 : memref<!tpu.dma_semaphore, #tpu.memory_space<semaphore_mem>>)
        } else {
        }
      } else {
      }
      %add3A_57 = arith.constant 2 : i32
      %add3A_58 = arith.addi %add3A_45, %add3A_57 : i32
      %lt3A_59 = arith.constant 80 : i32
      %lt3A_60 = arith.cmpi slt, %add3A_58, %lt3A_59 : i32
      %convert_element_type3A_61 = arith.extui %lt3A_60 : i1 to i32
      %cond3A_62 = arith.constant 0 : i32
      %cond3A_63 = arith.cmpi ne, %convert_element_type3A_61, %cond3A_62 : i32
      scf.if %cond3A_63 {
        %dma_wait3A_64 = arith.constant 0 : i32
        %dma_wait3A_65 = arith.constant 0 : i32
        %dma_wait3A_66 = tpu.memref_slice %arg2[%dma_wait3A_64, %dma_wait3A_65] : memref<10000x32xf32, #tpu.memory_space<hbm>> -> memref<128x32xf32, #tpu.memory_space<hbm>>
        %dma_wait3A_67 = arith.constant 0 : i32
        %dma_wait3A_68 = arith.constant 0 : i32
        %dma_wait3A_69 = tpu.memref_slice %arg2[%dma_wait3A_67, %dma_wait3A_68] : memref<10000x32xf32, #tpu.memory_space<hbm>> -> memref<128x32xf32, #tpu.memory_space<hbm>>
        tpu.wait_dma2 semaphore(%arg15 : memref<!tpu.dma_semaphore, #tpu.memory_space<semaphore_mem>>) src(%dma_wait3A_69 : memref<128x32xf32, #tpu.memory_space<hbm>>) dst(%arg11 : memref<128x32xf32, #tpu.memory_space<vmem>>)
        %dma_start3A_70 = arith.constant 0 : i32
        %dma_start3A_71 = tpu.memref_slice %arg8[%add3A_58, %dma_start3A_70] : memref<80x128xi32, #tpu.memory_space<vmem>> -> memref<1x128xi32, #tpu.memory_space<vmem>>
        %dma_start3A_72 = tpu.memref_squeeze %dma_start3A_71 : memref<1x128xi32, #tpu.memory_space<vmem>> -> memref<128xi32, #tpu.memory_space<vmem>>
        %dma_start3A_73 = arith.constant 0 : i32
        %dma_start3A_74 = arith.constant 0 : i32
        %dma_start3A_75 = tpu.memref_slice %arg12[%dma_start3A_73, %dma_start3A_74] : memref<10112x32xf32, #tpu.memory_space<vmem_shared>> -> memref<10112x32xf32, #tpu.memory_space<vmem_shared>>
        tpu.enqueue_indirect_dma source(%arg11 : memref<128x32xf32, #tpu.memory_space<vmem>>) target(%dma_start3A_75 : memref<10112x32xf32, #tpu.memory_space<vmem_shared>>) offsets(%dma_start3A_72 : memref<128xi32, #tpu.memory_space<vmem>>) semaphore(%arg18 : memref<!tpu.dma_semaphore, #tpu.memory_space<semaphore_mem>>) {add = true}
        %add3A_76 = arith.constant 1 : i32
        %add3A_77 = arith.addi %add3A_58, %add3A_76 : i32
        %lt3A_78 = arith.constant 80 : i32
        %lt3A_79 = arith.cmpi slt, %add3A_77, %lt3A_78 : i32
        %convert_element_type3A_80 = arith.extui %lt3A_79 : i1 to i32
        %cond3A_81 = arith.constant 0 : i32
        %cond3A_82 = arith.cmpi ne, %convert_element_type3A_80, %cond3A_81 : i32
        scf.if %cond3A_82 {
          %add3A_83 = arith.constant 1 : i32
          %add3A_84 = arith.addi %add3A_58, %add3A_83 : i32
          %ge3A = arith.constant 3 : i32
          %ge3A_85 = arith.cmpi sge, %add3A_84, %ge3A : i32
          %convert_element_type3A_86 = arith.extui %ge3A_85 : i1 to i32
          %cond3A_87 = arith.constant 0 : i32
          %cond3A_88 = arith.cmpi ne, %convert_element_type3A_86, %cond3A_87 : i32
          scf.if %cond3A_88 {
            %dma_wait3A_97 = arith.constant 0 : i32
            %dma_wait3A_98 = arith.constant 0 : i32
            %dma_wait3A_99 = tpu.memref_slice %arg2[%dma_wait3A_97, %dma_wait3A_98] : memref<10000x32xf32, #tpu.memory_space<hbm>> -> memref<128x32xf32, #tpu.memory_space<hbm>>
            %dma_wait3A_100 = arith.constant 0 : i32
            %dma_wait3A_101 = arith.constant 0 : i32
            %dma_wait3A_102 = tpu.memref_slice %arg2[%dma_wait3A_100, %dma_wait3A_101] : memref<10000x32xf32, #tpu.memory_space<hbm>> -> memref<128x32xf32, #tpu.memory_space<hbm>>
            tpu.wait_dma2 semaphore(%arg16 : memref<!tpu.dma_semaphore, #tpu.memory_space<semaphore_mem>>) src(%dma_wait3A_102 : memref<128x32xf32, #tpu.memory_space<hbm>>) dst(%arg9 : memref<128x32xf32, #tpu.memory_space<vmem>>)
          } else {
          }
          %add3A_89 = arith.constant 1 : i32
          %add3A_90 = arith.addi %add3A_58, %add3A_89 : i32
          %dma_start3A_91 = arith.constant 0 : i32
          %dma_start3A_92 = tpu.memref_slice %arg7[%add3A_90, %dma_start3A_91] : memref<80x128xi32, #tpu.memory_space<vmem>> -> memref<1x128xi32, #tpu.memory_space<vmem>>
          %dma_start3A_93 = tpu.memref_squeeze %dma_start3A_92 : memref<1x128xi32, #tpu.memory_space<vmem>> -> memref<128xi32, #tpu.memory_space<vmem>>
          %dma_start3A_94 = arith.constant 0 : i32
          %dma_start3A_95 = arith.constant 0 : i32
          %dma_start3A_96 = tpu.memref_slice %arg19[%dma_start3A_94, %dma_start3A_95] : memref<10000x32xf32, #tpu.memory_space<vmem_shared>> -> memref<10000x32xf32, #tpu.memory_space<vmem_shared>>
          tpu.enqueue_indirect_dma source(%dma_start3A_96 : memref<10000x32xf32, #tpu.memory_space<vmem_shared>>) target(%arg9 : memref<128x32xf32, #tpu.memory_space<vmem>>) offsets(%dma_start3A_93 : memref<128xi32, #tpu.memory_space<vmem>>) semaphore(%arg13 : memref<!tpu.dma_semaphore, #tpu.memory_space<semaphore_mem>>)
        } else {
        }
      } else {
      }
    }
    %scan3A_18 = arith.constant 27 : i32
    %dma_wait3A = arith.constant 0 : i32
    %dma_wait3A_19 = arith.constant 0 : i32
    %dma_wait3A_20 = tpu.memref_slice %arg2[%dma_wait3A, %dma_wait3A_19] : memref<10000x32xf32, #tpu.memory_space<hbm>> -> memref<128x32xf32, #tpu.memory_space<hbm>>
    %dma_wait3A_21 = arith.constant 0 : i32
    %dma_wait3A_22 = arith.constant 0 : i32
    %dma_wait3A_23 = tpu.memref_slice %arg2[%dma_wait3A_21, %dma_wait3A_22] : memref<10000x32xf32, #tpu.memory_space<hbm>> -> memref<128x32xf32, #tpu.memory_space<hbm>>
    tpu.wait_dma2 semaphore(%arg16 : memref<!tpu.dma_semaphore, #tpu.memory_space<semaphore_mem>>) src(%dma_wait3A_23 : memref<128x32xf32, #tpu.memory_space<hbm>>) dst(%arg9 : memref<128x32xf32, #tpu.memory_space<vmem>>)
    %dma_wait3A_24 = arith.constant 0 : i32
    %dma_wait3A_25 = arith.constant 0 : i32
    %dma_wait3A_26 = tpu.memref_slice %arg2[%dma_wait3A_24, %dma_wait3A_25] : memref<10000x32xf32, #tpu.memory_space<hbm>> -> memref<128x32xf32, #tpu.memory_space<hbm>>
    %dma_wait3A_27 = arith.constant 0 : i32
    %dma_wait3A_28 = arith.constant 0 : i32
    %dma_wait3A_29 = tpu.memref_slice %arg2[%dma_wait3A_27, %dma_wait3A_28] : memref<10000x32xf32, #tpu.memory_space<hbm>> -> memref<128x32xf32, #tpu.memory_space<hbm>>
    tpu.wait_dma2 semaphore(%arg17 : memref<!tpu.dma_semaphore, #tpu.memory_space<semaphore_mem>>) src(%dma_wait3A_29 : memref<128x32xf32, #tpu.memory_space<hbm>>) dst(%arg10 : memref<128x32xf32, #tpu.memory_space<vmem>>)
    %dma_wait3A_30 = arith.constant 0 : i32
    %dma_wait3A_31 = arith.constant 0 : i32
    %dma_wait3A_32 = tpu.memref_slice %arg2[%dma_wait3A_30, %dma_wait3A_31] : memref<10000x32xf32, #tpu.memory_space<hbm>> -> memref<128x32xf32, #tpu.memory_space<hbm>>
    %dma_wait3A_33 = arith.constant 0 : i32
    %dma_wait3A_34 = arith.constant 0 : i32
    %dma_wait3A_35 = tpu.memref_slice %arg2[%dma_wait3A_33, %dma_wait3A_34] : memref<10000x32xf32, #tpu.memory_space<hbm>> -> memref<128x32xf32, #tpu.memory_space<hbm>>
    tpu.wait_dma2 semaphore(%arg18 : memref<!tpu.dma_semaphore, #tpu.memory_space<semaphore_mem>>) src(%dma_wait3A_35 : memref<128x32xf32, #tpu.memory_space<hbm>>) dst(%arg11 : memref<128x32xf32, #tpu.memory_space<vmem>>)
    %barrier3A_36 = arith.constant 0 : index
    tpu.barrier barrier_id(%barrier3A_36)
    %mul3A_37 = arith.constant 632 : i32
    %mul3A_38 = arith.muli %arg1, %mul3A_37 : i32
    %mul3A_39 = arith.constant 632 : i32
    %mul3A_40 = arith.muli %arg1, %mul3A_39 : i32
    "tpu.region"() ({
      %run_scoped3A = tpu.sem_alloc : memref<!tpu.dma_semaphore, #tpu.memory_space<semaphore_mem>>
      %dma_start3A_41 = arith.constant 0 : i32
      %dma_start3A_42 = tpu.memref_slice %arg6[%arg0, %mul3A_40, %dma_start3A_41] : memref<2x10112x32xf32, #tpu.memory_space<hbm>> -> memref<1x632x32xf32, #tpu.memory_space<hbm>>
      %dma_start3A_43 = tpu.memref_squeeze %dma_start3A_42 : memref<1x632x32xf32, #tpu.memory_space<hbm>> -> memref<632x32xf32, #tpu.memory_space<hbm>>
      %dma_start3A_44 = arith.constant 0 : i32
      %dma_start3A_45 = tpu.memref_slice %arg12[%mul3A_38, %dma_start3A_44] : memref<10112x32xf32, #tpu.memory_space<vmem_shared>> -> memref<632x32xf32, #tpu.memory_space<vmem_shared>>
      tpu.enqueue_dma source(%dma_start3A_45 : memref<632x32xf32, #tpu.memory_space<vmem_shared>>) target(%dma_start3A_43 : memref<632x32xf32, #tpu.memory_space<hbm>>) target_semaphore(%run_scoped3A : memref<!tpu.dma_semaphore, #tpu.memory_space<semaphore_mem>>)
      %dma_wait3A_46 = arith.constant 0 : i32
      %dma_wait3A_47 = tpu.memref_slice %arg6[%arg0, %mul3A_40, %dma_wait3A_46] : memref<2x10112x32xf32, #tpu.memory_space<hbm>> -> memref<1x632x32xf32, #tpu.memory_space<hbm>>
      %dma_wait3A_48 = tpu.memref_squeeze %dma_wait3A_47 : memref<1x632x32xf32, #tpu.memory_space<hbm>> -> memref<632x32xf32, #tpu.memory_space<hbm>>
      %dma_wait3A_49 = arith.constant 0 : i32
      %dma_wait3A_50 = tpu.memref_slice %arg12[%mul3A_38, %dma_wait3A_49] : memref<10112x32xf32, #tpu.memory_space<vmem_shared>> -> memref<632x32xf32, #tpu.memory_space<vmem_shared>>
      tpu.wait_dma2 semaphore(%run_scoped3A : memref<!tpu.dma_semaphore, #tpu.memory_space<semaphore_mem>>) src(%dma_wait3A_50 : memref<632x32xf32, #tpu.memory_space<vmem_shared>>) dst(%dma_wait3A_48 : memref<632x32xf32, #tpu.memory_space<hbm>>)
      tpu.yield
    }) : () -> ()
    return
  }
}

module attributes {stable_mosaic.version = 14 : i64} {
  func.func @body(%arg0: memref<2x10112x16xf32, #tpu.memory_space<vmem>>, %arg1: memref<10000x128xf32, #tpu.memory_space<vmem>>, %arg2: memref<128x64xf32, #tpu.memory_space<vmem>>, %arg3: memref<10000x64xf32, #tpu.memory_space<vmem>>, %arg4: memref<10000x1xf32, #tpu.memory_space<vmem>>) attributes {dimension_semantics = [], scalar_prefetch = 0 : i64, scratch_operands = 0 : i64, tpu.core_type = #tpu.core_type<tc>} {
    %get3A = arith.constant 0 : index
    %get3A_0 = arith.constant 0 : index
    %get3A_1 = arith.constant 0 : index
    %get3A_2 = vector.load %arg0[%get3A, %get3A_0, %get3A_1] : memref<2x10112x16xf32, #tpu.memory_space<vmem>>, vector<1x10112x16xf32>
    %get3A_3 = vector.shape_cast %get3A_2 : vector<1x10112x16xf32> to vector<10112x16xf32>
    %get3A_4 = arith.constant 1 : index
    %get3A_5 = arith.constant 0 : index
    %get3A_6 = arith.constant 0 : index
    %get3A_7 = vector.load %arg0[%get3A_4, %get3A_5, %get3A_6] : memref<2x10112x16xf32, #tpu.memory_space<vmem>>, vector<1x10112x16xf32>
    %get3A_8 = vector.shape_cast %get3A_7 : vector<1x10112x16xf32> to vector<10112x16xf32>
    %add3A = arith.addf %get3A_3, %get3A_8 : vector<10112x16xf32>
    %slice3A = vector.extract_strided_slice %add3A {offsets = [0, 0], sizes = [10000, 1], strides = [1, 1]} : vector<10112x16xf32> to vector<10000x1xf32>
    %add3A_9 = arith.constant 1.000000e+00 : f32
    %add3A_10 = vector.broadcast %add3A_9 : f32 to vector<10000x1xf32>
    %add3A_11 = arith.addf %slice3A, %add3A_10 : vector<10000x1xf32>
    %rsqrt3A = math.rsqrt %add3A_11 : vector<10000x1xf32>
    %get3A_12 = arith.constant 0 : index
    %get3A_13 = arith.constant 0 : index
    %get3A_14 = vector.load %arg1[%get3A_12, %get3A_13] : memref<10000x128xf32, #tpu.memory_space<vmem>>, vector<10000x128xf32>
    %get3A_15 = arith.constant 0 : index
    %get3A_16 = arith.constant 0 : index
    %get3A_17 = vector.load %arg2[%get3A_15, %get3A_16] : memref<128x64xf32, #tpu.memory_space<vmem>>, vector<128x64xf32>
    %dot_general3A = arith.constant dense<0.000000e+00> : vector<10000x64xf32>
    %dot_general3A_18 = tpu.matmul %get3A_14, %get3A_17, %dot_general3A {dimension_numbers = #tpu.dot_dimension_numbers<[1], [0], [0], [1], [0, 0, 1, 1], [], []>, transpose_lhs_hint = false} : vector<10000x128xf32>, vector<128x64xf32>, vector<10000x64xf32> -> vector<10000x64xf32>
    %mul3A = vector.broadcast %rsqrt3A : vector<10000x1xf32> to vector<10000x64xf32>
    %mul3A_19 = arith.mulf %dot_general3A_18, %mul3A : vector<10000x64xf32>
    %swap3A = arith.constant 0 : index
    %swap3A_20 = arith.constant 0 : index
    %swap3A_21 = vector.load %arg3[%swap3A, %swap3A_20] : memref<10000x64xf32, #tpu.memory_space<vmem>>, vector<10000x64xf32>
    tpu.vector_store %arg3[%swap3A, %swap3A_20], %mul3A_19 {strides = array<i32>} : memref<10000x64xf32, #tpu.memory_space<vmem>>, vector<10000x64xf32>,
    %swap3A_22 = arith.constant 0 : index
    %swap3A_23 = arith.constant 0 : index
    %swap3A_24 = vector.load %arg4[%swap3A_22, %swap3A_23] : memref<10000x1xf32, #tpu.memory_space<vmem>>, vector<10000x1xf32>
    tpu.vector_store %arg4[%swap3A_22, %swap3A_23], %rsqrt3A {strides = array<i32>} : memref<10000x1xf32, #tpu.memory_space<vmem>>, vector<10000x1xf32>,
    return
  }
}

module attributes {stable_mosaic.version = 14 : i64} {
  func.func @body(%arg0: memref<2x10112x64xf32, #tpu.memory_space<vmem>>, %arg1: memref<10000x64xf32, #tpu.memory_space<vmem>>, %arg2: memref<10000x1xf32, #tpu.memory_space<vmem>>, %arg3: memref<64xf32, #tpu.memory_space<vmem>>, %arg4: memref<64x32xf32, #tpu.memory_space<vmem>>, %arg5: memref<10000x32xf32, #tpu.memory_space<vmem>>) attributes {dimension_semantics = [], scalar_prefetch = 0 : i64, scratch_operands = 0 : i64, tpu.core_type = #tpu.core_type<tc>} {
    %get3A = arith.constant 0 : index
    %get3A_0 = arith.constant 0 : index
    %get3A_1 = arith.constant 0 : index
    %get3A_2 = vector.load %arg0[%get3A, %get3A_0, %get3A_1] : memref<2x10112x64xf32, #tpu.memory_space<vmem>>, vector<1x10000x64xf32>
    %get3A_3 = vector.shape_cast %get3A_2 : vector<1x10000x64xf32> to vector<10000x64xf32>
    %get3A_4 = arith.constant 1 : index
    %get3A_5 = arith.constant 0 : index
    %get3A_6 = arith.constant 0 : index
    %get3A_7 = vector.load %arg0[%get3A_4, %get3A_5, %get3A_6] : memref<2x10112x64xf32, #tpu.memory_space<vmem>>, vector<1x10000x64xf32>
    %get3A_8 = vector.shape_cast %get3A_7 : vector<1x10000x64xf32> to vector<10000x64xf32>
    %add3A = arith.addf %get3A_3, %get3A_8 : vector<10000x64xf32>
    %get3A_9 = arith.constant 0 : index
    %get3A_10 = arith.constant 0 : index
    %get3A_11 = vector.load %arg1[%get3A_9, %get3A_10] : memref<10000x64xf32, #tpu.memory_space<vmem>>, vector<10000x64xf32>
    %add3A_12 = arith.addf %add3A, %get3A_11 : vector<10000x64xf32>
    %get3A_13 = arith.constant 0 : index
    %get3A_14 = arith.constant 0 : index
    %get3A_15 = vector.load %arg2[%get3A_13, %get3A_14] : memref<10000x1xf32, #tpu.memory_space<vmem>>, vector<10000x1xf32>
    %mul3A = vector.broadcast %get3A_15 : vector<10000x1xf32> to vector<10000x64xf32>
    %mul3A_16 = arith.mulf %add3A_12, %mul3A : vector<10000x64xf32>
    %get3A_17 = arith.constant 0 : index
    %get3A_18 = vector.load %arg3[%get3A_17] : memref<64xf32, #tpu.memory_space<vmem>>, vector<64xf32>
    %broadcast_in_dim3A = vector.shape_cast %get3A_18 : vector<64xf32> to vector<1x64xf32>
    %add3A_19 = vector.broadcast %broadcast_in_dim3A : vector<1x64xf32> to vector<10000x64xf32>
    %add3A_20 = arith.addf %mul3A_16, %add3A_19 : vector<10000x64xf32>
    %max3A = arith.constant 0.000000e+00 : f32
    %max3A_21 = vector.broadcast %max3A : f32 to vector<10000x64xf32>
    %max3A_22 = arith.maximumf %add3A_20, %max3A_21 : vector<10000x64xf32>
    %get3A_23 = arith.constant 0 : index
    %get3A_24 = arith.constant 0 : index
    %get3A_25 = vector.load %arg4[%get3A_23, %get3A_24] : memref<64x32xf32, #tpu.memory_space<vmem>>, vector<64x32xf32>
    %dot_general3A = arith.constant dense<0.000000e+00> : vector<10000x32xf32>
    %dot_general3A_26 = tpu.matmul %max3A_22, %get3A_25, %dot_general3A {dimension_numbers = #tpu.dot_dimension_numbers<[1], [0], [0], [1], [0, 0, 1, 1], [], []>, transpose_lhs_hint = false} : vector<10000x64xf32>, vector<64x32xf32>, vector<10000x32xf32> -> vector<10000x32xf32>
    %get3A_27 = arith.constant 0 : index
    %get3A_28 = arith.constant 0 : index
    %get3A_29 = vector.load %arg2[%get3A_27, %get3A_28] : memref<10000x1xf32, #tpu.memory_space<vmem>>, vector<10000x1xf32>
    %mul3A_30 = vector.broadcast %get3A_29 : vector<10000x1xf32> to vector<10000x32xf32>
    %mul3A_31 = arith.mulf %dot_general3A_26, %mul3A_30 : vector<10000x32xf32>
    %swap3A = arith.constant 0 : index
    %swap3A_32 = arith.constant 0 : index
    %swap3A_33 = vector.load %arg5[%swap3A, %swap3A_32] : memref<10000x32xf32, #tpu.memory_space<vmem>>, vector<10000x32xf32>
    tpu.vector_store %arg5[%swap3A, %swap3A_32], %mul3A_31 {strides = array<i32>} : memref<10000x32xf32, #tpu.memory_space<vmem>>, vector<10000x32xf32>,
    return
  }
}

module attributes {stable_mosaic.version = 14 : i64} {
  func.func @body(%arg0: memref<2x10112x32xf32, #tpu.memory_space<vmem>>, %arg1: memref<10000x32xf32, #tpu.memory_space<vmem>>, %arg2: memref<10000x1xf32, #tpu.memory_space<vmem>>, %arg3: memref<32xf32, #tpu.memory_space<vmem>>, %arg4: memref<10000x32xf32, #tpu.memory_space<vmem>>) attributes {dimension_semantics = [], scalar_prefetch = 0 : i64, scratch_operands = 0 : i64, tpu.core_type = #tpu.core_type<tc>} {
    %get3A = arith.constant 0 : index
    %get3A_0 = arith.constant 0 : index
    %get3A_1 = arith.constant 0 : index
    %get3A_2 = vector.load %arg0[%get3A, %get3A_0, %get3A_1] : memref<2x10112x32xf32, #tpu.memory_space<vmem>>, vector<1x10000x32xf32>
    %get3A_3 = vector.shape_cast %get3A_2 : vector<1x10000x32xf32> to vector<10000x32xf32>
    %get3A_4 = arith.constant 1 : index
    %get3A_5 = arith.constant 0 : index
    %get3A_6 = arith.constant 0 : index
    %get3A_7 = vector.load %arg0[%get3A_4, %get3A_5, %get3A_6] : memref<2x10112x32xf32, #tpu.memory_space<vmem>>, vector<1x10000x32xf32>
    %get3A_8 = vector.shape_cast %get3A_7 : vector<1x10000x32xf32> to vector<10000x32xf32>
    %add3A = arith.addf %get3A_3, %get3A_8 : vector<10000x32xf32>
    %get3A_9 = arith.constant 0 : index
    %get3A_10 = arith.constant 0 : index
    %get3A_11 = vector.load %arg1[%get3A_9, %get3A_10] : memref<10000x32xf32, #tpu.memory_space<vmem>>, vector<10000x32xf32>
    %add3A_12 = arith.addf %add3A, %get3A_11 : vector<10000x32xf32>
    %get3A_13 = arith.constant 0 : index
    %get3A_14 = arith.constant 0 : index
    %get3A_15 = vector.load %arg2[%get3A_13, %get3A_14] : memref<10000x1xf32, #tpu.memory_space<vmem>>, vector<10000x1xf32>
    %mul3A = vector.broadcast %get3A_15 : vector<10000x1xf32> to vector<10000x32xf32>
    %mul3A_16 = arith.mulf %add3A_12, %mul3A : vector<10000x32xf32>
    %get3A_17 = arith.constant 0 : index
    %get3A_18 = vector.load %arg3[%get3A_17] : memref<32xf32, #tpu.memory_space<vmem>>, vector<32xf32>
    %broadcast_in_dim3A = vector.shape_cast %get3A_18 : vector<32xf32> to vector<1x32xf32>
    %add3A_19 = vector.broadcast %broadcast_in_dim3A : vector<1x32xf32> to vector<10000x32xf32>
    %add3A_20 = arith.addf %mul3A_16, %add3A_19 : vector<10000x32xf32>
    %swap3A = arith.constant 0 : index
    %swap3A_21 = arith.constant 0 : index
    %swap3A_22 = vector.load %arg4[%swap3A, %swap3A_21] : memref<10000x32xf32, #tpu.memory_space<vmem>>, vector<10000x32xf32>
    tpu.vector_store %arg4[%swap3A, %swap3A_21], %add3A_20 {strides = array<i32>} : memref<10000x32xf32, #tpu.memory_space<vmem>>, vector<10000x32xf32>,
    return
  }
}

</mosaic_0001>

<sc_bundles>
// kernel: kernel.11.cloned.1.call-start
scs
__scs_entry_jumppad:
0x0: {  	(pc) =	sbr.rel $0x88, $3  }
0x1: {  	(tag) =	ssettag $0x0;
	lr =	simm.s32 $0x1  }
0x2: {  	[smem:$0x3F9B] =	sst lr;
	_ =	strace $0xD0000000  }
0x3: {  	_ = 	snop  }
0x4: {  	_ = 	snop  }
0x5: {  	_ = 	snop  }
0x6: {  	_ = 	snop  }
0x7: {  	_ = 	snop  }
__scs_overlays_trampoline_lowered:
0x8: {  	[smem:$0x3FAA] =	sst s0  }
0x9: {  	[smem:$0x3FAB] =	sst s1  }
0xa: {  	[smem:$0x3FAC] =	sst s2  }
0xb: {  	[smem:$0x3FAD] =	sst s3  }
0xc: {  	[smem:$0x3FAE] =	sst s4  }
0xd: {  	[smem:$0x3FAF] =	sst s5  }
0xe: {  	[smem:$0x3FB0] =	sst s6  }
0xf: {  	[smem:$0x3FB1] =	sst s7  }
0x10: {  	[smem:$0x3FB2] =	sst s8  }
0x11: {  	[smem:$0x3FB3] =	sst s9;
	s0 =	simm.s32 @!p0 $0x0  }
0x12: {  	s1 =	sld [smem:$0x3F99];
	s0 =	simm.s32 @p0 $0x1  }
0x13: {  	[smem:$0x3FB4] =	sst s0;
	s0 =	simm.s32 @!p1 $0x0  }
0x14: {  	s2 =	sld [smem:$0x3F98];
	s0 =	simm.s32 @p1 $0x1  }
0x15: {  	[smem:$0x3FB5] =	sst s0;
	s0 =	simm.s32 @!p2 $0x0  }
0x16: {  	s3 =	sld [smem:$0x3FDB];
	s0 =	simm.s32 @p2 $0x1  }
0x17: {  	s4 =	simm.s32 $0x1BF5;
	[smem:$0x3FB7] =	sst s0  }
0x18: {  	s0 =	sld [smem:$0x3F9A];
	_ =	swait.ge [sflag:s4], $0x0  }
0x19: {  	s7 =	sld [smem:$0x3F9B]  }
0x1a: {  	s8 =	sadd.s32 $0xFFFFE003, lr  }
0x1b: {  	s9 =	sadd.s32 $0xFFFFFEF7, lr;
	s5 =	simm.s32 $0xFFFFFFFF;
	p2 =	slt.u32 s8, $0xFFFFF086  }
0x1c: {  	p1 =	slt.u32 s9, $0xF7A;
	s5 =	simm.s32 @!p2 $0x0  }
0x1d: {  	s5 =	simm.s32 @p1 $0x1;
	p0 =	seq.s32 s7, s2  }
0x1e: {  	s7 =	smul.u32 @!p0 $0xF7A, s2;
	p2 =	seq.s32 @!p0 s5, $0x0  }
0x1f: {  	s9 =	smul.u32 $0xF7A, s1;
	s8 =	simm.s32 @!p0 $0x1BF5;
	p2 =	por !p2, p0  }
0x20: {  	[sflag:s8] =	ssyncset.s32 @!p0 $0xFFFFF086;
	s6 =	sadd.s32 @!p0 s3, s7;
	s7 =	simm.s32 @!p0 $0x108  }
0x21: {  	s3 =	sadd.s32 s3, s9;
	s6 =	sadd.s32 @!p0 $0x88, s6;
	s7 =	simm.s32 @p2 $0x1082  }
0x22: {  	[simem:s7], [sflag:s8] =	dma.local @!p0 [hbm:s6], $0xF7A  }
0x23: {  	s9 =	sor.u32 $0xD0000000, s2;
	s6 =	simm.s32 $0x108;
	_ =	swait.ge @!p0 [sflag:s8], $0x0  }
0x24: {  	s3 =	sadd.s32 $0x88, s3;
	s6 =	simm.s32 @!p1 $0x1082;
	[sflag:s4] =	ssyncset.s32 $0xFFFFF086  }
0x25: {  	[simem:s6], [sflag:s4] =	dma.local [hbm:s3], $0xF7A  }
0x26: {  	[smem:$0x3F9B] =	sst s1;
	(tag) =	ssettag s2;
	_ =	strace s9  }
0x27: {  	s1 =	sld [smem:$0x3FAB]  }
0x28: {  	s2 =	sld [smem:$0x3FAC]  }
0x29: {  	s4 =	sld [smem:$0x3FAE]  }
0x2a: {  	p0 =	seq.s32 s5, $0x0;
	s5 =	sld [smem:$0x3FAF]  }
0x2b: {  	s6 =	sld [smem:$0x3FB0]  }
0x2c: {  	s7 =	sld [smem:$0x3FB1]  }
0x2d: {  	s3 =	simm.s32 $0x108;
	s8 =	sld [smem:$0x3FB2]  }
0x2e: {  	s3 =	simm.s32 @!p0 $0x1082;
	s9 =	sld [smem:$0x3FB3]  }
0x2f: {  	lr =	sadd.s32 s0, s3;
	s0 =	sld [smem:$0x3FAA]  }
0x30: {  	s3 =	sld [smem:$0x3FAD]  }
0x31: {  	[smem:$0x3FB6] =	sst s10  }
0x32: {  	s10 =	sld [smem:$0x3FB4];
	_ =	sdelay $0x3  }
0x33: {  	p0 =	seq.s32 s10, $0x1;
	s10 =	sld [smem:$0x3FB6];
	_ =	sdelay $0x3  }
0x34: {  	[smem:$0x3FB6] =	sst s10  }
0x35: {  	s10 =	sld [smem:$0x3FB5];
	_ =	sdelay $0x3  }
0x36: {  	p1 =	seq.s32 s10, $0x1;
	s10 =	sld [smem:$0x3FB6];
	_ =	sdelay $0x3  }
0x37: {  	[smem:$0x3FB6] =	sst s10  }
0x38: {  	s10 =	sld [smem:$0x3FB7]  }
0x39: {  	_ = 	snop;
	(pc) =	sbr.ind lr, $3  }
0x3a: {  	_ = 	snop  }
0x3b: {  	_ = 	snop  }
0x3c: {  	p2 =	seq.s32 s10, $0x1;
	s10 =	sld [smem:$0x3FB6]  }
0x3d: {  	_ =	shalt  }
0x3e: {  	_ =	shalt  }
0x3f: {  	_ =	shalt  }
0x40: {  	_ =	shalt  }
0x41: {  	_ =	shalt  }
0x42: {  	_ =	shalt  }
0x43: {  	_ =	shalt  }
0x44: {  	_ =	shalt  }
0x45: {  	_ =	shalt  }
0x46: {  	_ =	shalt  }
0x47: {  	_ =	shalt  }
0x48: {  	_ =	shalt  }
0x49: {  	_ =	shalt  }
0x4a: {  	_ =	shalt  }
0x4b: {  	_ =	shalt  }
0x4c: {  	_ =	shalt  }
0x4d: {  	_ =	shalt  }
0x4e: {  	_ =	shalt  }
0x4f: {  	_ =	shalt  }
0x50: {  	_ =	shalt  }
0x51: {  	_ =	shalt  }
0x52: {  	_ =	shalt  }
0x53: {  	_ =	shalt  }
0x54: {  	_ =	shalt  }
0x55: {  	_ =	shalt  }
0x56: {  	_ =	shalt  }
0x57: {  	_ =	shalt  }
0x58: {  	_ =	shalt  }
0x59: {  	_ =	shalt  }
0x5a: {  	_ =	shalt  }
0x5b: {  	_ =	shalt  }
0x5c: {  	_ =	shalt  }
0x5d: {  	_ =	shalt  }
0x5e: {  	_ =	shalt  }
0x5f: {  	_ =	shalt  }
0x60: {  	_ =	shalt  }
0x61: {  	_ =	shalt  }
0x62: {  	_ =	shalt  }
0x63: {  	_ =	shalt  }
0x64: {  	_ =	shalt  }
0x65: {  	_ =	shalt  }
0x66: {  	_ =	shalt  }
0x67: {  	_ =	shalt  }
0x68: {  	_ =	shalt  }
0x69: {  	_ =	shalt  }
0x6a: {  	_ =	shalt  }
0x6b: {  	_ =	shalt  }
0x6c: {  	_ =	shalt  }
0x6d: {  	_ =	shalt  }
0x6e: {  	_ =	shalt  }
0x6f: {  	_ =	shalt  }
0x70: {  	_ =	shalt  }
0x71: {  	_ =	shalt  }
0x72: {  	_ =	shalt  }
0x73: {  	_ =	shalt  }
0x74: {  	_ =	shalt  }
0x75: {  	_ =	shalt  }
0x76: {  	_ =	shalt  }
0x77: {  	_ =	shalt  }
0x78: {  	_ =	shalt  }
0x79: {  	_ =	shalt  }
0x7a: {  	_ =	shalt  }
0x7b: {  	_ =	shalt  }
0x7c: {  	_ =	shalt  }
0x7d: {  	_ =	shalt  }
0x7e: {  	_ =	shalt  }
0x7f: {  	_ =	shalt  }
0x80: {  	_ =	shalt  }
0x81: {  	_ =	shalt  }
0x82: {  	_ =	shalt  }
0x83: {  	_ =	shalt  }
0x84: {  	_ =	shalt  }
0x85: {  	_ =	shalt  }
0x86: {  	_ =	shalt  }
0x87: {  	_ =	shalt  }
.Lfunc_end0:
.L_simem_size_0:
called_computation.1_lowered:
.L_overlay_start_0:
0x88: {  	s2 =	sld [smem:$0x3FD9]  }
0x89: {  	s3 =	sld [smem:$0x3FFE];
	_ =	sdelay $0x1  }
0x8a: {  	s1 =	srdreg.scid  }
0x8b: {  	s0 =	sand.u32 $0x1, s1  }
0x8c: {  	s16 =	sshll.u32 s0, $0xA;
	s2 =	sadd.s32 s3, s2  }
0x8d: {  	s2 =	sadd.s32 s2, s16  }
0x8e: {  	[smem:$0x3FC2] =	sst s2  }
0x8f: {  	_ = 	snop  }
0x90: {  	(tm) =	ssettm $0x1  }
0x91: {  	s17 =	sld [smem:$0x3FFB];
	_ =	sdelay $0x3  }
0x92: {  	_ =	strace s17  }
0x93: {  	s2 =	sld [smem:$0x3FFC];
	_ =	sdelay $0x3  }
0x94: {  	_ =	strace s2  }
0x95: {  	s2 =	sld [smem:$0x3FFD];
	_ =	sdelay $0x3  }
0x96: {  	_ =	strace s2  }
0x97: {  	_ =	strace $0x8FFFFFFF  }
0x98: {  	s18 =	sld [smem:$0x3FDB];
	_ =	sdelay $0x1  }
0x99: {  	s19 =	simm.s32 $_scs_section_size  }
0x9a: {  	s4 =	simm.s32 $_size__tile_overlayer_lowered;
	s5 =	simm.s32 $_tile_overlayer_lowered  }
0x9b: {  	s22 =	simm.s32 $0x1BFF;
	s21 =	sshll.u32 s5, $0x1;
	s2 =	sadd.s32 s19, s18  }
0x9c: {  	s6 =	simm.s32 $0x0;
	s20 =	sshll.u32 s4, $0x1;
	s4 =	sadd.s32 s21, s2  }
0x9d: {  	[timem:s6], [sflag:s22] =	dma.local [hbm:s4], s20  }
0x9e: {  	_ =	swait.ge [sflag:s22], s20  }
0x9f: {  	s3 =	ssub.s32 $0x0, s20;
	[sflag:s22] =	ssyncset.done $0x0  }
0xa0: {  	[sflag:s22] =	ssyncadd.s32 s3;
	_ =	sdelay $0x1  }
0xa1: {  	s23 =	simm.s32 $0x1B8B  }
0xa2: {  	_ =	swait.ge [sflag:s23], $0x1  }
0xa3: {  	[sflag:s23] =	ssyncset.done $0x0  }
0xa4: {  	s25 =	simm.s32 $0x1B8E;
	s24 =	sld [smem:$0x3FFE];
	[sflag:s23] =	ssyncadd.s32 $0xFFFFFFFF  }
0xa5: {  	s26 =	simm.s32 $execute0_lowered;
	[smem:$0x3FD2] =	sst s25  }
0xa6: {  	s4 =	sshll.u32 s26, $0x1;
	_ =	strace $0x80000049;
	[dreg:$0x1] =	wrdreg $0xFFFFFFFF  }
0xa7: {  	s28 =	simm.s32 $_size_execute0_lowered;
	s2 =	sadd.s32 s2, s4;
	[dreg:$0x0] =	wrdreg $0x0  }
0xa8: {  	s4 =	sshll.u32 s28, $0x1;
	[dreg:$0x2] =	wrdreg s2  }
0xa9: {  	[dreg:$0x3] =	wrdreg s4  }
0xaa: {  	[dreg:$0x4] =	wrdreg $0xC0  }
0xab: {  	_ =	task [dreg:s6], $0x5FFFF  }
0xac: {  	[dreg:$0x1] =	wrdreg $0xFFFFFFFF  }
0xad: {  	[dreg:$0x0] =	wrdreg $0x60  }
0xae: {  	[dreg:$0x2] =	wrdreg s24  }
0xaf: {  	[dreg:$0x3] =	wrdreg $0xB0000  }
0xb0: {  	[dreg:$0x4] =	wrdreg $0x14E000  }
0xb1: {  	[dreg:$0x5] =	wrdreg $0x9  }
0xb2: {  	_ =	task.clear_ibuf [dreg:s6], $0x6FFFF;
	_ =	strace $0x90000049  }
0xb3: {  	s29 =	simm.s32 $0x9;
	_ =	strace $0x8000004B  }
0xb4: {  	_ =	swait.ge [sflag:s29], $0x1  }
0xb5: {  	[sflag:s29] =	ssyncadd.s32 $0xFFFFFFFF  }
0xb6: {  	_ =	strace $0x9000004B  }
0xb7: {  	_ =	sfence  }
0xb8: {  	s30 =	sld [smem:$0x0];
	_ =	sdelay $0x2  }
0xb9: {  	s31 =	sshll.u32 s1, $0xD;
	s1 =	sshrl.u32 s1, $0x2  }
0xba: {  	s3 =	sand.u32 $0x4000, s31;
	s1 =	sadd.s32 s1, s30  }
0xbb: {  	s0 =	sor.u32 s3, s0;
	s1 =	sshll.u32 s1, $0x11  }
0xbc: {  	s0 =	sor.u32 s1, s0  }
0xbd: {  	s0 =	sadd.s32 $0x8F2B, s0  }
0xbe: {  	[sflag:s0] =	ssyncadd.remote.s32 $0x1  }
0xbf: {  	_ =	sfence.sel $0xFFFF  }
0xc0: {  	[dreg:$0x0] =	wrdreg $0xFFFFFFFF;
	(pc) =	sbr.abs _section_cstart, $3  }
0xc1: {  	[dreg:$0x1] =	wrdreg $0xFFFFFFFF  }
0xc2: {  	_ =	task.clear_ibuf [dreg:s6], $0x2FFFF;
	_ =	strace $0x9FFFFFFF  }
0xc3: {  	(tm) =	ssettm $0x7FFFFFFF  }
tec
execute0_lowered:
.L_overlay_start_1:
0x0: {  	(tag) =	ssettag $0x1  }
0x1: {  	s0 =	srdreg.scid  }
0x2: {  	s1 =	rddreg [dreg:$0x0];
	s13 =	stileid.u32  }
0x3: {  	s2 =	rddreg [dreg:$0x1];
	s12 =	simm.s32 $0x2800;
	s16 =	simm.s32 $0x80  }
0x4: {  	s17 =	simm.s32 $0x5000;
	s18 =	simm.s32 $0x1;
	s19 =	simm.s32 $0x7000  }
0x5: {  	s20 =	simm.s32 $0x2;
	s23 =	simm.s32 $0x9000;
	s29 =	simm.s32 $0x2980  }
0x6: {  	s30 =	simm.s32 $0x5;
	s31 =	simm.s32 $0x200;
	s8 =	smul.u32 $0x9C40, s13  }
0x7: {  	s21 =	simm.s32 $0x0;
	s0 =	sand.u32 $0x1, s0;
	s7 =	smul.u32 $0x9E00, s13  }
0x8: {  	s28 =	sshll.u32 s13, $0x6;
	s3 =	sshll.u32 s0, $0x4;
	s6 =	smul.u32 $0x9E000, s0  }
0x9: {  	s0 =	ssub.s32 $0x2, s0;
	s4 =	sor.u32 s13, s3;
	s3 =	rddreg [dreg:$0x2]  }
0xa: {  	s9 =	sshrl.u32 s8, $0x3;
	s25 =	sshrl.u32 s7, $0x3;
	s26 =	sshrl.u32 s0, $0x1  }
0xb: {  	s14 =	sadd.s32 s7, s2;
	s13 =	sor.u32 $0x1C07, s28;
	s5 =	smul.u32 $0x500, s4  }
0xc: {  	s4 =	simm.s32 $0x0;
	s9 =	sadd.s32 s9, s1;
	s24 =	sadd.s32 s7, s6  }
0xd: {  	s11 =	sadd.s32 s25, s1;
	s0 =	ssub.s32 s0, s26;
	s15 =	sadd.s32 s8, s3  }
0xe: {  	s14 =	sshrl.u32 s14, $0x3;
	s26 =	simm.s32 $0x4;
	[smem:$0x7FF] =	sst s4  }
0xf: {  	s7 =	sadd.s32 $0x2E400, s11;
	s8 =	sadd.s32 $0x1AA00, s9;
	s11 =	simm.s32 $0x7  }
0x10: {  	s15 =	sshrl.u32 s15, $0x3;
	s10 =	sadd.s32 s5, s1;
	s5 =	sshrl.u32 s24, $0x3  }
0x11: {  	_ =	strace $0x8000004A;
	s24 =	simm.s32 $0x3;
	s1 =	sadd.s32 s5, s1  }
0x12: {  	s5 =	sadd.s32 $0x10A00, s10;
	s6 =	sadd.s32 $0x1600, s10;
	s10 =	smax.u32 s0, $0x1  }
0x13: {  	s0 =	simm.s32 $0x6;
	s9 =	sadd.s32 $0x42000, s1;
	s1 =	simm.s32 $0x2A00  }
.LBB2_1:
0x14: {  	[tilespmem:s4], [sflag:$0x7] =	stream.linear.gather [hbm4b:s5+s4], $0x2800, $0x38;
	[tilespmem:$0x1EA40] =	vst v63  }
0x15: {  	_ =	swait.ge [sflag:s11], $0x2800  }
0x16: {  	[sflag:s11] =	ssyncset.done $0x0  }
0x17: {  	[sflag:s11] =	ssyncadd.s32 $0xFFFFD800  }
0x18: {  	[tilespmem:s12], [sflag:$0x7] =	stream.linear.gather [hbm4b:s6+s4], $0x2800, $0x38;
	[tilespmem:$0x1EA40] =	vst v63  }
0x19: {  	_ =	swait.ge [sflag:s11], $0x2800  }
0x1a: {  	[sflag:s11] =	ssyncset.done $0x0  }
0x1b: {  	[sflag:s11] =	ssyncadd.s32 $0xFFFFD800  }
0x1c: {  	[spmem:s14], [sflag:s13] =	dma.local [hbm:s7], $0x13C0  }
0x1d: {  	_ =	swait.ge [sflag:s11], $0x13C0  }
0x1e: {  	[sflag:s11] =	ssyncset.done $0x0  }
0x1f: {  	[sflag:s11] =	ssyncadd.s32 $0xFFFFEC40  }
0x20: {  	[spmem:s15], [sflag:s13] =	dma.local [hbm:s8], $0x1388  }
0x21: {  	_ =	swait.ge [sflag:s11], $0x1388  }
0x22: {  	[sflag:s11] =	ssyncset.done $0x0  }
0x23: {  	[sflag:s11] =	ssyncadd.s32 $0xFFFFEC78  }
0x24: {  	[bflag:$0x0] =	sbarrier.arrive $0xFFFF  }
0x25: {  	[tilespmem:s17], [sflag:$0x1] =	stream.indirect.gather [spmem:s3], $0x40, s4, s16, $0xb8;
	[tilespmem:$0x1EA40] =	vst v63  }
0x26: {  	_ =	swait.ge [sflag:s18], $0x2000  }
0x27: {  	[sflag:s18] =	ssyncset.done $0x0  }
0x28: {  	[sflag:s18] =	ssyncadd.s32 $0xFFFFE000  }
0x29: {  	[spmem:s2] =	stream.indirect.scatter.add.f32 [tilespmem:s17], [sflag:$0x4], $0x40, s12, s16, $0xb8;
	[tilespmem:$0x1EA40] =	vst v63  }
0x2a: {  	_ = 	snop  }
0x2b: {  	[tilespmem:s19], [sflag:$0x2] =	stream.indirect.gather [spmem:s3], $0x40, s16, s16, $0xb8;
	[tilespmem:$0x1EA40] =	vst v63  }
0x2c: {  	_ =	swait.ge [sflag:s20], $0x2000  }
0x2d: {  	[sflag:s20] =	ssyncset.done $0x0  }
0x2e: {  	s22 =	simm.s32 $0x2880;
	[sflag:s20] =	ssyncadd.s32 $0xFFFFE000  }
0x2f: {  	[spmem:s2] =	stream.indirect.scatter.add.f32 [tilespmem:s19], [sflag:$0x5], $0x40, s22, s16, $0xb8;
	[tilespmem:$0x1EA40] =	vst v63  }
0x30: {  	s25 =	simm.s32 $0x100  }
0x31: {  	[tilespmem:s23], [sflag:$0x3] =	stream.indirect.gather [spmem:s3], $0x40, s25, s16, $0xb8;
	[tilespmem:$0x1EA40] =	vst v63  }
0x32: {  	_ =	swait.ge [sflag:s24], $0x2000  }
0x33: {  	[sflag:s24] =	ssyncset.done $0x0  }
0x34: {  	s28 =	simm.s32 $0x2900;
	[sflag:s24] =	ssyncadd.s32 $0xFFFFE000  }
0x35: {  	[spmem:s2] =	stream.indirect.scatter.add.f32 [tilespmem:s23], [sflag:$0x6], $0x40, s28, s16, $0xb8;
	[tilespmem:$0x1EA40] =	vst v63  }
0x36: {  	_ =	swait.ge [sflag:s26], $0x2000  }
0x37: {  	[sflag:s26] =	ssyncset.done $0x0  }
0x38: {  	s25 =	simm.s32 $0x180;
	[sflag:s26] =	ssyncadd.s32 $0xFFFFE000  }
0x39: {  	[tilespmem:s17], [sflag:$0x1] =	stream.indirect.gather [spmem:s3], $0x40, s25, s16, $0xb8;
	[tilespmem:$0x1EA40] =	vst v63  }
0x3a: {  	_ =	swait.ge [sflag:s18], $0x2000  }
0x3b: {  	[sflag:s18] =	ssyncset.done $0x0  }
0x3c: {  	[sflag:s18] =	ssyncadd.s32 $0xFFFFE000  }
0x3d: {  	[spmem:s2] =	stream.indirect.scatter.add.f32 [tilespmem:s17], [sflag:$0x4], $0x40, s29, s16, $0xb8;
	[tilespmem:$0x1EA40] =	vst v63  }
0x3e: {  	_ =	swait.ge [sflag:s30], $0x2000  }
0x3f: {  	[sflag:s30] =	ssyncset.done $0x0  }
0x40: {  	[sflag:s30] =	ssyncadd.s32 $0xFFFFE000  }
0x41: {  	[tilespmem:s19], [sflag:$0x2] =	stream.indirect.gather [spmem:s3], $0x40, s31, s16, $0xb8;
	[tilespmem:$0x1EA40] =	vst v63  }
0x42: {  	_ =	swait.ge [sflag:s20], $0x2000  }
0x43: {  	[sflag:s20] =	ssyncset.done $0x0  }
0x44: {  	[sflag:s20] =	ssyncadd.s32 $0xFFFFE000  }
0x45: {  	[spmem:s2] =	stream.indirect.scatter.add.f32 [tilespmem:s19], [sflag:$0x5], $0x40, s1, s16, $0xb8;
	[tilespmem:$0x1EA40] =	vst v63  }
0x46: {  	_ =	swait.ge [sflag:s0], $0x2000  }
0x47: {  	[sflag:s0] =	ssyncset.done $0x0  }
0x48: {  	s28 =	simm.s32 $0x280;
	[sflag:s0] =	ssyncadd.s32 $0xFFFFE000  }
0x49: {  	[tilespmem:s23], [sflag:$0x3] =	stream.indirect.gather [spmem:s3], $0x40, s28, s16, $0xb8;
	[tilespmem:$0x1EA40] =	vst v63  }
0x4a: {  	_ =	swait.ge [sflag:s24], $0x2000  }
0x4b: {  	[sflag:s24] =	ssyncset.done $0x0  }
0x4c: {  	s25 =	simm.s32 $0x2A80;
	[sflag:s24] =	ssyncadd.s32 $0xFFFFE000  }
0x4d: {  	[spmem:s2] =	stream.indirect.scatter.add.f32 [tilespmem:s23], [sflag:$0x6], $0x40, s25, s16, $0xb8;
	[tilespmem:$0x1EA40] =	vst v63  }
0x4e: {  	_ =	swait.ge [sflag:s26], $0x2000  }
0x4f: {  	[sflag:s26] =	ssyncset.done $0x0  }
0x50: {  	s28 =	simm.s32 $0x300;
	[sflag:s26] =	ssyncadd.s32 $0xFFFFE000  }
0x51: {  	[tilespmem:s17], [sflag:$0x1] =	stream.indirect.gather [spmem:s3], $0x40, s28, s16, $0xb8;
	[tilespmem:$0x1EA40] =	vst v63  }
0x52: {  	_ =	swait.ge [sflag:s18], $0x2000  }
0x53: {  	[sflag:s18] =	ssyncset.done $0x0  }
0x54: {  	s25 =	simm.s32 $0x2B00;
	[sflag:s18] =	ssyncadd.s32 $0xFFFFE000  }
0x55: {  	[spmem:s2] =	stream.indirect.scatter.add.f32 [tilespmem:s17], [sflag:$0x4], $0x40, s25, s16, $0xb8;
	[tilespmem:$0x1EA40] =	vst v63  }
0x56: {  	_ =	swait.ge [sflag:s30], $0x2000  }
0x57: {  	[sflag:s30] =	ssyncset.done $0x0  }
0x58: {  	s28 =	simm.s32 $0x380;
	[sflag:s30] =	ssyncadd.s32 $0xFFFFE000  }
0x59: {  	[tilespmem:s19], [sflag:$0x2] =	stream.indirect.gather [spmem:s3], $0x40, s28, s16, $0xb8;
	[tilespmem:$0x1EA40] =	vst v63  }
0x5a: {  	_ =	swait.ge [sflag:s20], $0x2000  }
0x5b: {  	[sflag:s20] =	ssyncset.done $0x0  }
0x5c: {  	s22 =	simm.s32 $0x600;
	s25 =	simm.s32 $0x2B80;
	[sflag:s20] =	ssyncadd.s32 $0xFFFFE000  }
.LBB2_2:
0x5d: {  	[spmem:s2] =	stream.indirect.scatter.add.f32 [tilespmem:s19], [sflag:$0x5], $0x40, s25, s16, $0xb8;
	[tilespmem:$0x1EA40] =	vst v63  }
0x5e: {  	s25 =	smov.u32 s22  }
0x5f: {  	p0 =	sne.s32 s22, $0x9000;
	s22 =	sadd.s32 $0x600, s22;
	_ =	swait.ge [sflag:s0], $0x2000  }
0x60: {  	s25 =	sshra.s32 s25, $0x2;
	[sflag:s0] =	ssyncset.done $0x0  }
0x61: {  	s28 =	sadd.s32 $0x280, s25;
	[sflag:s0] =	ssyncadd.s32 $0xFFFFE000  }
0x62: {  	[tilespmem:s23], [sflag:$0x3] =	stream.indirect.gather [spmem:s3], $0x40, s28, s16, $0xb8;
	[tilespmem:$0x1EA40] =	vst v63  }
0x63: {  	_ =	swait.ge [sflag:s24], $0x2000  }
0x64: {  	[sflag:s24] =	ssyncset.done $0x0  }
0x65: {  	s28 =	sadd.s32 $0x2A80, s25;
	[sflag:s24] =	ssyncadd.s32 $0xFFFFE000  }
0x66: {  	[spmem:s2] =	stream.indirect.scatter.add.f32 [tilespmem:s23], [sflag:$0x6], $0x40, s28, s16, $0xb8;
	[tilespmem:$0x1EA40] =	vst v63  }
0x67: {  	_ =	swait.ge [sflag:s26], $0x2000  }
0x68: {  	[sflag:s26] =	ssyncset.done $0x0  }
0x69: {  	s28 =	sadd.s32 $0x300, s25;
	[sflag:s26] =	ssyncadd.s32 $0xFFFFE000  }
0x6a: {  	[tilespmem:s17], [sflag:$0x1] =	stream.indirect.gather [spmem:s3], $0x40, s28, s16, $0xb8;
	[tilespmem:$0x1EA40] =	vst v63  }
0x6b: {  	_ =	swait.ge [sflag:s18], $0x2000  }
0x6c: {  	[sflag:s18] =	ssyncset.done $0x0  }
0x6d: {  	s28 =	sadd.s32 $0x2B00, s25;
	[sflag:s18] =	ssyncadd.s32 $0xFFFFE000  }
0x6e: {  	[spmem:s2] =	stream.indirect.scatter.add.f32 [tilespmem:s17], [sflag:$0x4], $0x40, s28, s16, $0xb8;
	[tilespmem:$0x1EA40] =	vst v63  }
0x6f: {  	_ =	swait.ge [sflag:s30], $0x2000  }
0x70: {  	[sflag:s30] =	ssyncset.done $0x0  }
.Ltmp0:
0x71: {  	s28 =	sadd.s32 $0x380, s25;
	[sflag:s30] =	ssyncadd.s32 $0xFFFFE000;
	(pc) =	sbr.rel @p0 .LBB2_2-.Ltmp0, $4  }
0x72: {  	[tilespmem:s19], [sflag:$0x2] =	stream.indirect.gather [spmem:s3], $0x40, s28, s16, $0xb8;
	[tilespmem:$0x1EA40] =	vst v63  }
0x73: {  	_ =	swait.ge [sflag:s20], $0x2000  }
0x74: {  	[sflag:s20] =	ssyncset.done $0x0  }
0x75: {  	s25 =	sadd.s32 $0x2B80, s25;
	[sflag:s20] =	ssyncadd.s32 $0xFFFFE000  }
0x76: {  	[spmem:s2] =	stream.indirect.scatter.add.f32 [tilespmem:s19], [sflag:$0x5], $0x40, s25, s16, $0xb8;
	[tilespmem:$0x1EA40] =	vst v63  }
0x77: {  	_ =	swait.ge [sflag:s26], $0x2000  }
0x78: {  	[sflag:s26] =	ssyncset.done $0x0  }
0x79: {  	[sflag:s26] =	ssyncadd.s32 $0xFFFFE000  }
0x7a: {  	_ =	swait.ge [sflag:s30], $0x2000  }
0x7b: {  	[sflag:s30] =	ssyncset.done $0x0  }
0x7c: {  	[sflag:s30] =	ssyncadd.s32 $0xFFFFE000  }
0x7d: {  	_ =	swait.ge [sflag:s0], $0x2000  }
0x7e: {  	s21 =	sadd.s32 $0x1, s21;
	[sflag:s0] =	ssyncset.done $0x0  }
0x7f: {  	p0 =	sne.s32 s21, s10;
	[sflag:s0] =	ssyncadd.s32 $0xFFFFE000  }
.Ltmp1:
0x80: {  	[bflag:$0x0] =	sbarrier.arrive $0xFFFF;
	(pc) =	sbr.rel @p0 .LBB2_1-.Ltmp1, $4  }
0x81: {  	[hbm:s9], [sflag:s13] =	dma.local [spmem:s14], $0x13C0  }
0x82: {  	_ =	swait.ge [sflag:s11], $0x13C0  }
0x83: {  	[sflag:s11] =	ssyncset.done $0x0  }
0x84: {  	[sflag:s11] =	ssyncadd.s32 $0xFFFFEC40  }
0x85: {  	_ =	sfence.sel $0x180000  }
0x86: {  	[bflag:$0x0] =	sbarrier.arrive $0xFFFF  }
0x87: {  	_ =	strace $0x9000004A  }
0x88: {  	s0 =	stileid.u32;
	[bflag:$0x2] =	sbarrier.arrive $0xFFFF  }
0x89: {  	p0 =	sne.s32 s0, $0x0;
	s0 =	rddreg [dreg:$0x3]  }
0x8a: {  	s0 =	sadd.s32 @!p0 $0x100000, s0  }
0x8b: {  	[sflag:s0] =	ssyncadd.tile.s32 @!p0 $0x1;
	_ =	shalt  }
.Lfunc_end2:
_tile_overlayer_lowered:
.L_overlay_start_2:
0x8c: {  	(tag) =	ssettag $0x2  }
0x8d: {  	s0 =	rddreg [dreg:$0x0];
	s2 =	stileid.u32  }
0x8e: {  	s1 =	rddreg [dreg:$0x1];
	p0 =	sne.s32 s2, $0x0  }
0x8f: {  	s3 =	rddreg [dreg:$0x2];
	[bflag:$0x3] =	sbarrier.arrive $0xFFFF;
	s2 =	simm.s32 @!p0 $0x1C07  }
0x90: {  	[timem:s3], [sflag:s2] =	dma.local @!p0 [hbm:s0], s1  }
0x91: {  	s0 =	simm.s32 @!p0 $0x7  }
0x92: {  	_ =	swait.ge @!p0 [sflag:s0], s1  }
0x93: {  	s1 =	ssub.s32 @!p0 $0x0, s1;
	[sflag:s0] =	ssyncset.done @!p0 $0x0  }
0x94: {  	[sflag:s0] =	ssyncadd.s32 @!p0 s1  }
0x95: {  	[bflag:$0x3] =	sbarrier.arrive $0xFFFF  }
0x96: {  	_ =	shalt  }

// kernel: kernel.14.cloned.1.call-start
scs
__scs_entry_jumppad:
0x0: {  	(pc) =	sbr.rel $0x88, $3  }
0x1: {  	(tag) =	ssettag $0x0;
	lr =	simm.s32 $0x1  }
0x2: {  	[smem:$0x3F9B] =	sst lr;
	_ =	strace $0xD0000000  }
0x3: {  	_ = 	snop  }
0x4: {  	_ = 	snop  }
0x5: {  	_ = 	snop  }
0x6: {  	_ = 	snop  }
0x7: {  	_ = 	snop  }
__scs_overlays_trampoline_lowered:
0x8: {  	[smem:$0x3FAA] =	sst s0  }
0x9: {  	[smem:$0x3FAB] =	sst s1  }
0xa: {  	[smem:$0x3FAC] =	sst s2  }
0xb: {  	[smem:$0x3FAD] =	sst s3  }
0xc: {  	[smem:$0x3FAE] =	sst s4  }
0xd: {  	[smem:$0x3FAF] =	sst s5  }
0xe: {  	[smem:$0x3FB0] =	sst s6  }
0xf: {  	[smem:$0x3FB1] =	sst s7  }
0x10: {  	[smem:$0x3FB2] =	sst s8  }
0x11: {  	[smem:$0x3FB3] =	sst s9;
	s0 =	simm.s32 @!p0 $0x0  }
0x12: {  	s1 =	sld [smem:$0x3F99];
	s0 =	simm.s32 @p0 $0x1  }
0x13: {  	[smem:$0x3FB4] =	sst s0;
	s0 =	simm.s32 @!p1 $0x0  }
0x14: {  	s2 =	sld [smem:$0x3F98];
	s0 =	simm.s32 @p1 $0x1  }
0x15: {  	[smem:$0x3FB5] =	sst s0;
	s0 =	simm.s32 @!p2 $0x0  }
0x16: {  	s3 =	sld [smem:$0x3FDB];
	s0 =	simm.s32 @p2 $0x1  }
0x17: {  	s4 =	simm.s32 $0x1BF5;
	[smem:$0x3FB7] =	sst s0  }
0x18: {  	s0 =	sld [smem:$0x3F9A];
	_ =	swait.ge [sflag:s4], $0x0  }
0x19: {  	s7 =	sld [smem:$0x3F9B]  }
0x1a: {  	s8 =	sadd.s32 $0xFFFFE003, lr  }
0x1b: {  	s9 =	sadd.s32 $0xFFFFFEF7, lr;
	s5 =	simm.s32 $0xFFFFFFFF;
	p2 =	slt.u32 s8, $0xFFFFF086  }
0x1c: {  	p1 =	slt.u32 s9, $0xF7A;
	s5 =	simm.s32 @!p2 $0x0  }
0x1d: {  	s5 =	simm.s32 @p1 $0x1;
	p0 =	seq.s32 s7, s2  }
0x1e: {  	s7 =	smul.u32 @!p0 $0xF7A, s2;
	p2 =	seq.s32 @!p0 s5, $0x0  }
0x1f: {  	s9 =	smul.u32 $0xF7A, s1;
	s8 =	simm.s32 @!p0 $0x1BF5;
	p2 =	por !p2, p0  }
0x20: {  	[sflag:s8] =	ssyncset.s32 @!p0 $0xFFFFF086;
	s6 =	sadd.s32 @!p0 s3, s7;
	s7 =	simm.s32 @!p0 $0x108  }
0x21: {  	s3 =	sadd.s32 s3, s9;
	s6 =	sadd.s32 @!p0 $0x88, s6;
	s7 =	simm.s32 @p2 $0x1082  }
0x22: {  	[simem:s7], [sflag:s8] =	dma.local @!p0 [hbm:s6], $0xF7A  }
0x23: {  	s9 =	sor.u32 $0xD0000000, s2;
	s6 =	simm.s32 $0x108;
	_ =	swait.ge @!p0 [sflag:s8], $0x0  }
0x24: {  	s3 =	sadd.s32 $0x88, s3;
	s6 =	simm.s32 @!p1 $0x1082;
	[sflag:s4] =	ssyncset.s32 $0xFFFFF086  }
0x25: {  	[simem:s6], [sflag:s4] =	dma.local [hbm:s3], $0xF7A  }
0x26: {  	[smem:$0x3F9B] =	sst s1;
	(tag) =	ssettag s2;
	_ =	strace s9  }
0x27: {  	s1 =	sld [smem:$0x3FAB]  }
0x28: {  	s2 =	sld [smem:$0x3FAC]  }
0x29: {  	s4 =	sld [smem:$0x3FAE]  }
0x2a: {  	p0 =	seq.s32 s5, $0x0;
	s5 =	sld [smem:$0x3FAF]  }
0x2b: {  	s6 =	sld [smem:$0x3FB0]  }
0x2c: {  	s7 =	sld [smem:$0x3FB1]  }
0x2d: {  	s3 =	simm.s32 $0x108;
	s8 =	sld [smem:$0x3FB2]  }
0x2e: {  	s3 =	simm.s32 @!p0 $0x1082;
	s9 =	sld [smem:$0x3FB3]  }
0x2f: {  	lr =	sadd.s32 s0, s3;
	s0 =	sld [smem:$0x3FAA]  }
0x30: {  	s3 =	sld [smem:$0x3FAD]  }
0x31: {  	[smem:$0x3FB6] =	sst s10  }
0x32: {  	s10 =	sld [smem:$0x3FB4];
	_ =	sdelay $0x3  }
0x33: {  	p0 =	seq.s32 s10, $0x1;
	s10 =	sld [smem:$0x3FB6];
	_ =	sdelay $0x3  }
0x34: {  	[smem:$0x3FB6] =	sst s10  }
0x35: {  	s10 =	sld [smem:$0x3FB5];
	_ =	sdelay $0x3  }
0x36: {  	p1 =	seq.s32 s10, $0x1;
	s10 =	sld [smem:$0x3FB6];
	_ =	sdelay $0x3  }
0x37: {  	[smem:$0x3FB6] =	sst s10  }
0x38: {  	s10 =	sld [smem:$0x3FB7]  }
0x39: {  	_ = 	snop;
	(pc) =	sbr.ind lr, $3  }
0x3a: {  	_ = 	snop  }
0x3b: {  	_ = 	snop  }
0x3c: {  	p2 =	seq.s32 s10, $0x1;
	s10 =	sld [smem:$0x3FB6]  }
0x3d: {  	_ =	shalt  }
0x3e: {  	_ =	shalt  }
0x3f: {  	_ =	shalt  }
0x40: {  	_ =	shalt  }
0x41: {  	_ =	shalt  }
0x42: {  	_ =	shalt  }
0x43: {  	_ =	shalt  }
0x44: {  	_ =	shalt  }
0x45: {  	_ =	shalt  }
0x46: {  	_ =	shalt  }
0x47: {  	_ =	shalt  }
0x48: {  	_ =	shalt  }
0x49: {  	_ =	shalt  }
0x4a: {  	_ =	shalt  }
0x4b: {  	_ =	shalt  }
0x4c: {  	_ =	shalt  }
0x4d: {  	_ =	shalt  }
0x4e: {  	_ =	shalt  }
0x4f: {  	_ =	shalt  }
0x50: {  	_ =	shalt  }
0x51: {  	_ =	shalt  }
0x52: {  	_ =	shalt  }
0x53: {  	_ =	shalt  }
0x54: {  	_ =	shalt  }
0x55: {  	_ =	shalt  }
0x56: {  	_ =	shalt  }
0x57: {  	_ =	shalt  }
0x58: {  	_ =	shalt  }
0x59: {  	_ =	shalt  }
0x5a: {  	_ =	shalt  }
0x5b: {  	_ =	shalt  }
0x5c: {  	_ =	shalt  }
0x5d: {  	_ =	shalt  }
0x5e: {  	_ =	shalt  }
0x5f: {  	_ =	shalt  }
0x60: {  	_ =	shalt  }
0x61: {  	_ =	shalt  }
0x62: {  	_ =	shalt  }
0x63: {  	_ =	shalt  }
0x64: {  	_ =	shalt  }
0x65: {  	_ =	shalt  }
0x66: {  	_ =	shalt  }
0x67: {  	_ =	shalt  }
0x68: {  	_ =	shalt  }
0x69: {  	_ =	shalt  }
0x6a: {  	_ =	shalt  }
0x6b: {  	_ =	shalt  }
0x6c: {  	_ =	shalt  }
0x6d: {  	_ =	shalt  }
0x6e: {  	_ =	shalt  }
0x6f: {  	_ =	shalt  }
0x70: {  	_ =	shalt  }
0x71: {  	_ =	shalt  }
0x72: {  	_ =	shalt  }
0x73: {  	_ =	shalt  }
0x74: {  	_ =	shalt  }
0x75: {  	_ =	shalt  }
0x76: {  	_ =	shalt  }
0x77: {  	_ =	shalt  }
0x78: {  	_ =	shalt  }
0x79: {  	_ =	shalt  }
0x7a: {  	_ =	shalt  }
0x7b: {  	_ =	shalt  }
0x7c: {  	_ =	shalt  }
0x7d: {  	_ =	shalt  }
0x7e: {  	_ =	shalt  }
0x7f: {  	_ =	shalt  }
0x80: {  	_ =	shalt  }
0x81: {  	_ =	shalt  }
0x82: {  	_ =	shalt  }
0x83: {  	_ =	shalt  }
0x84: {  	_ =	shalt  }
0x85: {  	_ =	shalt  }
0x86: {  	_ =	shalt  }
0x87: {  	_ =	shalt  }
.Lfunc_end0:
.L_simem_size_0:
called_computation.2_lowered:
.L_overlay_start_0:
0x88: {  	s2 =	sld [smem:$0x3FD9]  }
0x89: {  	s3 =	sld [smem:$0x3FFE];
	_ =	sdelay $0x1  }
0x8a: {  	s1 =	srdreg.scid  }
0x8b: {  	s0 =	sand.u32 $0x1, s1  }
0x8c: {  	s17 =	sshll.u32 s0, $0xA;
	s2 =	sadd.s32 s3, s2  }
0x8d: {  	s2 =	sadd.s32 s2, s17  }
0x8e: {  	[smem:$0x3FC2] =	sst s2  }
0x8f: {  	_ = 	snop  }
0x90: {  	s2 =	sld [smem:$0x3FD0];
	(tm) =	ssettm $0x1  }
0x91: {  	s18 =	sld [smem:$0x3FFB];
	_ =	sdelay $0x3  }
0x92: {  	_ =	strace s18  }
0x93: {  	s3 =	sld [smem:$0x3FFC];
	_ =	sdelay $0x3  }
0x94: {  	_ =	strace s3  }
0x95: {  	s3 =	sld [smem:$0x3FFD];
	_ =	sdelay $0x3  }
0x96: {  	_ =	strace s3  }
0x97: {  	_ =	strace $0x8FFFFFFF  }
0x98: {  	s19 =	sld [smem:$0x3FDB];
	_ =	sdelay $0x1  }
0x99: {  	s4 =	simm.s32 $_scs_section_size  }
0x9a: {  	s5 =	simm.s32 $_size__tile_overlayer_lowered;
	s6 =	simm.s32 $_tile_overlayer_lowered  }
0x9b: {  	s22 =	simm.s32 $0x1BFF;
	s21 =	sshll.u32 s6, $0x1;
	s3 =	sadd.s32 s4, s19  }
0x9c: {  	s7 =	simm.s32 $0x0;
	s20 =	sshll.u32 s5, $0x1;
	s5 =	sadd.s32 s21, s3  }
0x9d: {  	[timem:s7], [sflag:s22] =	dma.local [hbm:s5], s20  }
0x9e: {  	_ =	swait.ge [sflag:s22], s20  }
0x9f: {  	s4 =	ssub.s32 $0x0, s20;
	[sflag:s22] =	ssyncset.done $0x0  }
0xa0: {  	[sflag:s22] =	ssyncadd.s32 s4;
	_ =	sdelay $0x1  }
0xa1: {  	s23 =	simm.s32 $0x1B8B  }
0xa2: {  	_ =	swait.ge [sflag:s23], $0x1  }
0xa3: {  	[sflag:s23] =	ssyncset.done $0x0  }
0xa4: {  	s25 =	simm.s32 $0x1B8E;
	s24 =	sld [smem:$0x3FFE];
	[sflag:s23] =	ssyncadd.s32 $0xFFFFFFFF  }
0xa5: {  	s26 =	simm.s32 $execute0_lowered;
	[smem:$0x3FD2] =	sst s25  }
0xa6: {  	s5 =	sshll.u32 s26, $0x1;
	_ =	strace $0x8000004C;
	[dreg:$0x1] =	wrdreg $0xFFFFFFFF  }
0xa7: {  	s28 =	simm.s32 $_size_execute0_lowered;
	s3 =	sadd.s32 s3, s5;
	[dreg:$0x0] =	wrdreg $0x0  }
0xa8: {  	s5 =	sshll.u32 s28, $0x1;
	[dreg:$0x2] =	wrdreg s3  }
0xa9: {  	[dreg:$0x3] =	wrdreg s5  }
0xaa: {  	[dreg:$0x4] =	wrdreg $0xC0  }
0xab: {  	_ =	task [dreg:s7], $0x5FFFF  }
0xac: {  	[dreg:$0x1] =	wrdreg $0xFFFFFFFF  }
0xad: {  	[dreg:$0x0] =	wrdreg $0x60  }
0xae: {  	[dreg:$0x2] =	wrdreg s24  }
0xaf: {  	[dreg:$0x3] =	wrdreg s2  }
0xb0: {  	[dreg:$0x4] =	wrdreg $0x80000  }
0xb1: {  	[dreg:$0x5] =	wrdreg $0xCF000  }
0xb2: {  	[dreg:$0x6] =	wrdreg $0x9  }
0xb3: {  	_ =	task.clear_ibuf [dreg:s7], $0x7FFFF;
	_ =	strace $0x9000004C  }
0xb4: {  	s29 =	simm.s32 $0x9;
	_ =	strace $0x8000004E  }
0xb5: {  	_ =	swait.ge [sflag:s29], $0x1  }
0xb6: {  	[sflag:s29] =	ssyncadd.s32 $0xFFFFFFFF  }
0xb7: {  	_ =	strace $0x9000004E  }
0xb8: {  	_ =	sfence  }
0xb9: {  	s30 =	sld [smem:$0x0];
	_ =	sdelay $0x2  }
0xba: {  	s31 =	sshll.u32 s1, $0xD;
	s1 =	sshrl.u32 s1, $0x2  }
0xbb: {  	s3 =	sand.u32 $0x4000, s31;
	s1 =	sadd.s32 s1, s30  }
0xbc: {  	s0 =	sor.u32 s3, s0;
	s1 =	sshll.u32 s1, $0x11  }
0xbd: {  	s0 =	sor.u32 s1, s0  }
0xbe: {  	s0 =	sadd.s32 $0x8F2B, s0  }
0xbf: {  	[sflag:s0] =	ssyncadd.remote.s32 $0x1  }
0xc0: {  	_ =	sfence.sel $0xFFFF  }
0xc1: {  	[dreg:$0x0] =	wrdreg $0xFFFFFFFF;
	(pc) =	sbr.abs _section_cstart, $3  }
0xc2: {  	[dreg:$0x1] =	wrdreg $0xFFFFFFFF  }
0xc3: {  	_ =	task.clear_ibuf [dreg:s7], $0x2FFFF;
	_ =	strace $0x9FFFFFFF  }
0xc4: {  	(tm) =	ssettm $0x7FFFFFFF  }
0xc5: {  	_ =	shalt  }
tec
execute0_lowered:
.L_overlay_start_1:
0x0: {  	(tag) =	ssettag $0x1  }
0x1: {  	s0 =	rddreg [dreg:$0x0]  }
0x2: {  	s1 =	rddreg [dreg:$0x1]  }
0x3: {  	s2 =	rddreg [dreg:$0x2]  }
0x4: {  	s3 =	rddreg [dreg:$0x3]  }
0x5: {  	s13 =	stileid.u32;
	s5 =	srdreg.scid  }
0x6: {  	s4 =	simm.s32 $0x0;
	s12 =	simm.s32 $0x2800;
	s16 =	simm.s32 $0x80  }
0x7: {  	s17 =	simm.s32 $0x5000;
	s18 =	simm.s32 $0x1;
	s19 =	simm.s32 $0x6000  }
0x8: {  	s20 =	simm.s32 $0x2;
	s23 =	simm.s32 $0x7000;
	s24 =	simm.s32 $0x3  }
0x9: {  	s29 =	simm.s32 $0x2980;
	s30 =	simm.s32 $0x5;
	s31 =	simm.s32 $0x200  }
0xa: {  	s21 =	simm.s32 $0x0;
	s8 =	smul.u32 $0x4E20, s13;
	s5 =	sand.u32 $0x1, s5  }
0xb: {  	s7 =	smul.u32 $0x4F00, s13;
	[smem:$0x7FF] =	sst s4;
	s28 =	sshll.u32 s13, $0x6  }
0xc: {  	s6 =	sshll.u32 s5, $0x4;
	s9 =	smul.u32 $0x4F000, s5;
	_ =	strace $0x8000004D  }
0xd: {  	s5 =	ssub.s32 $0x2, s5;
	s10 =	sshrl.u32 s8, $0x3;
	s6 =	sor.u32 s13, s6  }
0xe: {  	s11 =	sshrl.u32 s5, $0x1;
	s25 =	sshrl.u32 s7, $0x3;
	s14 =	sadd.s32 s7, s2  }
0xf: {  	s26 =	sadd.s32 s8, s3;
	s13 =	sor.u32 $0x1C07, s28;
	s6 =	smul.u32 $0x500, s6  }
0x10: {  	s9 =	sadd.s32 s7, s9;
	s10 =	sadd.s32 s10, s0;
	s11 =	ssub.s32 s5, s11  }
0x11: {  	s7 =	sadd.s32 s1, s25;
	s14 =	sshrl.u32 s14, $0x3;
	s15 =	sshrl.u32 s26, $0x3  }
0x12: {  	s26 =	simm.s32 $0x4;
	s1 =	simm.s32 $0x6;
	s9 =	sshrl.u32 s9, $0x3  }
0x13: {  	s8 =	sadd.s32 $0x1AA00, s10;
	s10 =	smax.u32 s11, $0x1;
	s6 =	sadd.s32 s6, s0  }
0x14: {  	s11 =	simm.s32 $0x7;
	s0 =	sadd.s32 s9, s0;
	s5 =	sadd.s32 $0x10A00, s6  }
0x15: {  	s6 =	sadd.s32 $0x1600, s6;
	s9 =	sadd.s32 $0x24800, s0;
	s0 =	simm.s32 $0x2A00  }
.LBB2_1:
0x16: {  	[tilespmem:s4], [sflag:$0x7] =	stream.linear.gather [hbm4b:s5+s4], $0x2800, $0x38;
	[tilespmem:$0x11D20] =	vst v63  }
0x17: {  	_ =	swait.ge [sflag:s11], $0x2800  }
0x18: {  	[sflag:s11] =	ssyncset.done $0x0  }
0x19: {  	[sflag:s11] =	ssyncadd.s32 $0xFFFFD800  }
0x1a: {  	[tilespmem:s12], [sflag:$0x7] =	stream.linear.gather [hbm4b:s6+s4], $0x2800, $0x38;
	[tilespmem:$0x11D20] =	vst v63  }
0x1b: {  	_ =	swait.ge [sflag:s11], $0x2800  }
0x1c: {  	[sflag:s11] =	ssyncset.done $0x0  }
0x1d: {  	[sflag:s11] =	ssyncadd.s32 $0xFFFFD800  }
0x1e: {  	[spmem:s14], [sflag:s13] =	dma.local [hbm:s7], $0x9E0  }
0x1f: {  	_ =	swait.ge [sflag:s11], $0x9E0  }
0x20: {  	[sflag:s11] =	ssyncset.done $0x0  }
0x21: {  	[sflag:s11] =	ssyncadd.s32 $0xFFFFF620  }
0x22: {  	[spmem:s15], [sflag:s13] =	dma.local [hbm:s8], $0x9C4  }
0x23: {  	_ =	swait.ge [sflag:s11], $0x9C4  }
0x24: {  	[sflag:s11] =	ssyncset.done $0x0  }
0x25: {  	[sflag:s11] =	ssyncadd.s32 $0xFFFFF63C  }
0x26: {  	[bflag:$0x0] =	sbarrier.arrive $0xFFFF  }
0x27: {  	[tilespmem:s17], [sflag:$0x1] =	stream.indirect.gather [spmem:s3], $0x20, s4, s16, $0xb8;
	[tilespmem:$0x11D20] =	vst v63  }
0x28: {  	_ =	swait.ge [sflag:s18], $0x1000  }
0x29: {  	[sflag:s18] =	ssyncset.done $0x0  }
0x2a: {  	[sflag:s18] =	ssyncadd.s32 $0xFFFFF000  }
0x2b: {  	[spmem:s2] =	stream.indirect.scatter.add.f32 [tilespmem:s17], [sflag:$0x4], $0x20, s12, s16, $0xb8;
	[tilespmem:$0x11D20] =	vst v63  }
0x2c: {  	_ = 	snop  }
0x2d: {  	[tilespmem:s19], [sflag:$0x2] =	stream.indirect.gather [spmem:s3], $0x20, s16, s16, $0xb8;
	[tilespmem:$0x11D20] =	vst v63  }
0x2e: {  	_ =	swait.ge [sflag:s20], $0x1000  }
0x2f: {  	[sflag:s20] =	ssyncset.done $0x0  }
0x30: {  	s22 =	simm.s32 $0x2880;
	[sflag:s20] =	ssyncadd.s32 $0xFFFFF000  }
0x31: {  	[spmem:s2] =	stream.indirect.scatter.add.f32 [tilespmem:s19], [sflag:$0x5], $0x20, s22, s16, $0xb8;
	[tilespmem:$0x11D20] =	vst v63  }
0x32: {  	s25 =	simm.s32 $0x100  }
0x33: {  	[tilespmem:s23], [sflag:$0x3] =	stream.indirect.gather [spmem:s3], $0x20, s25, s16, $0xb8;
	[tilespmem:$0x11D20] =	vst v63  }
0x34: {  	_ =	swait.ge [sflag:s24], $0x1000  }
0x35: {  	[sflag:s24] =	ssyncset.done $0x0  }
0x36: {  	s28 =	simm.s32 $0x2900;
	[sflag:s24] =	ssyncadd.s32 $0xFFFFF000  }
0x37: {  	[spmem:s2] =	stream.indirect.scatter.add.f32 [tilespmem:s23], [sflag:$0x6], $0x20, s28, s16, $0xb8;
	[tilespmem:$0x11D20] =	vst v63  }
0x38: {  	_ =	swait.ge [sflag:s26], $0x1000  }
0x39: {  	[sflag:s26] =	ssyncset.done $0x0  }
0x3a: {  	s25 =	simm.s32 $0x180;
	[sflag:s26] =	ssyncadd.s32 $0xFFFFF000  }
0x3b: {  	[tilespmem:s17], [sflag:$0x1] =	stream.indirect.gather [spmem:s3], $0x20, s25, s16, $0xb8;
	[tilespmem:$0x11D20] =	vst v63  }
0x3c: {  	_ =	swait.ge [sflag:s18], $0x1000  }
0x3d: {  	[sflag:s18] =	ssyncset.done $0x0  }
0x3e: {  	[sflag:s18] =	ssyncadd.s32 $0xFFFFF000  }
0x3f: {  	[spmem:s2] =	stream.indirect.scatter.add.f32 [tilespmem:s17], [sflag:$0x4], $0x20, s29, s16, $0xb8;
	[tilespmem:$0x11D20] =	vst v63  }
0x40: {  	_ =	swait.ge [sflag:s30], $0x1000  }
0x41: {  	[sflag:s30] =	ssyncset.done $0x0  }
0x42: {  	[sflag:s30] =	ssyncadd.s32 $0xFFFFF000  }
0x43: {  	[tilespmem:s19], [sflag:$0x2] =	stream.indirect.gather [spmem:s3], $0x20, s31, s16, $0xb8;
	[tilespmem:$0x11D20] =	vst v63  }
0x44: {  	_ =	swait.ge [sflag:s20], $0x1000  }
0x45: {  	[sflag:s20] =	ssyncset.done $0x0  }
0x46: {  	[sflag:s20] =	ssyncadd.s32 $0xFFFFF000  }
0x47: {  	[spmem:s2] =	stream.indirect.scatter.add.f32 [tilespmem:s19], [sflag:$0x5], $0x20, s0, s16, $0xb8;
	[tilespmem:$0x11D20] =	vst v63  }
0x48: {  	_ =	swait.ge [sflag:s1], $0x1000  }
0x49: {  	[sflag:s1] =	ssyncset.done $0x0  }
0x4a: {  	s28 =	simm.s32 $0x280;
	[sflag:s1] =	ssyncadd.s32 $0xFFFFF000  }
0x4b: {  	[tilespmem:s23], [sflag:$0x3] =	stream.indirect.gather [spmem:s3], $0x20, s28, s16, $0xb8;
	[tilespmem:$0x11D20] =	vst v63  }
0x4c: {  	_ =	swait.ge [sflag:s24], $0x1000  }
0x4d: {  	[sflag:s24] =	ssyncset.done $0x0  }
0x4e: {  	s25 =	simm.s32 $0x2A80;
	[sflag:s24] =	ssyncadd.s32 $0xFFFFF000  }
0x4f: {  	[spmem:s2] =	stream.indirect.scatter.add.f32 [tilespmem:s23], [sflag:$0x6], $0x20, s25, s16, $0xb8;
	[tilespmem:$0x11D20] =	vst v63  }
0x50: {  	_ =	swait.ge [sflag:s26], $0x1000  }
0x51: {  	[sflag:s26] =	ssyncset.done $0x0  }
0x52: {  	s28 =	simm.s32 $0x300;
	[sflag:s26] =	ssyncadd.s32 $0xFFFFF000  }
0x53: {  	[tilespmem:s17], [sflag:$0x1] =	stream.indirect.gather [spmem:s3], $0x20, s28, s16, $0xb8;
	[tilespmem:$0x11D20] =	vst v63  }
0x54: {  	_ =	swait.ge [sflag:s18], $0x1000  }
0x55: {  	[sflag:s18] =	ssyncset.done $0x0  }
0x56: {  	s25 =	simm.s32 $0x2B00;
	[sflag:s18] =	ssyncadd.s32 $0xFFFFF000  }
0x57: {  	[spmem:s2] =	stream.indirect.scatter.add.f32 [tilespmem:s17], [sflag:$0x4], $0x20, s25, s16, $0xb8;
	[tilespmem:$0x11D20] =	vst v63  }
0x58: {  	_ =	swait.ge [sflag:s30], $0x1000  }
0x59: {  	[sflag:s30] =	ssyncset.done $0x0  }
0x5a: {  	s28 =	simm.s32 $0x380;
	[sflag:s30] =	ssyncadd.s32 $0xFFFFF000  }
0x5b: {  	[tilespmem:s19], [sflag:$0x2] =	stream.indirect.gather [spmem:s3], $0x20, s28, s16, $0xb8;
	[tilespmem:$0x11D20] =	vst v63  }
0x5c: {  	_ =	swait.ge [sflag:s20], $0x1000  }
0x5d: {  	[sflag:s20] =	ssyncset.done $0x0  }
0x5e: {  	s22 =	simm.s32 $0x600;
	s25 =	simm.s32 $0x2B80;
	[sflag:s20] =	ssyncadd.s32 $0xFFFFF000  }
.LBB2_2:
0x5f: {  	[spmem:s2] =	stream.indirect.scatter.add.f32 [tilespmem:s19], [sflag:$0x5], $0x20, s25, s16, $0xb8;
	[tilespmem:$0x11D20] =	vst v63  }
0x60: {  	s25 =	smov.u32 s22  }
0x61: {  	p0 =	sne.s32 s22, $0x9000;
	s22 =	sadd.s32 $0x600, s22;
	_ =	swait.ge [sflag:s1], $0x1000  }
0x62: {  	s25 =	sshra.s32 s25, $0x2;
	[sflag:s1] =	ssyncset.done $0x0  }
0x63: {  	s28 =	sadd.s32 $0x280, s25;
	[sflag:s1] =	ssyncadd.s32 $0xFFFFF000  }
0x64: {  	[tilespmem:s23], [sflag:$0x3] =	stream.indirect.gather [spmem:s3], $0x20, s28, s16, $0xb8;
	[tilespmem:$0x11D20] =	vst v63  }
0x65: {  	_ =	swait.ge [sflag:s24], $0x1000  }
0x66: {  	[sflag:s24] =	ssyncset.done $0x0  }
0x67: {  	s28 =	sadd.s32 $0x2A80, s25;
	[sflag:s24] =	ssyncadd.s32 $0xFFFFF000  }
0x68: {  	[spmem:s2] =	stream.indirect.scatter.add.f32 [tilespmem:s23], [sflag:$0x6], $0x20, s28, s16, $0xb8;
	[tilespmem:$0x11D20] =	vst v63  }
0x69: {  	_ =	swait.ge [sflag:s26], $0x1000  }
0x6a: {  	[sflag:s26] =	ssyncset.done $0x0  }
0x6b: {  	s28 =	sadd.s32 $0x300, s25;
	[sflag:s26] =	ssyncadd.s32 $0xFFFFF000  }
0x6c: {  	[tilespmem:s17], [sflag:$0x1] =	stream.indirect.gather [spmem:s3], $0x20, s28, s16, $0xb8;
	[tilespmem:$0x11D20] =	vst v63  }
0x6d: {  	_ =	swait.ge [sflag:s18], $0x1000  }
0x6e: {  	[sflag:s18] =	ssyncset.done $0x0  }
0x6f: {  	s28 =	sadd.s32 $0x2B00, s25;
	[sflag:s18] =	ssyncadd.s32 $0xFFFFF000  }
0x70: {  	[spmem:s2] =	stream.indirect.scatter.add.f32 [tilespmem:s17], [sflag:$0x4], $0x20, s28, s16, $0xb8;
	[tilespmem:$0x11D20] =	vst v63  }
0x71: {  	_ =	swait.ge [sflag:s30], $0x1000  }
0x72: {  	[sflag:s30] =	ssyncset.done $0x0  }
.Ltmp0:
0x73: {  	s28 =	sadd.s32 $0x380, s25;
	[sflag:s30] =	ssyncadd.s32 $0xFFFFF000;
	(pc) =	sbr.rel @p0 .LBB2_2-.Ltmp0, $4  }
0x74: {  	[tilespmem:s19], [sflag:$0x2] =	stream.indirect.gather [spmem:s3], $0x20, s28, s16, $0xb8;
	[tilespmem:$0x11D20] =	vst v63  }
0x75: {  	_ =	swait.ge [sflag:s20], $0x1000  }
0x76: {  	[sflag:s20] =	ssyncset.done $0x0  }
0x77: {  	s25 =	sadd.s32 $0x2B80, s25;
	[sflag:s20] =	ssyncadd.s32 $0xFFFFF000  }
0x78: {  	[spmem:s2] =	stream.indirect.scatter.add.f32 [tilespmem:s19], [sflag:$0x5], $0x20, s25, s16, $0xb8;
	[tilespmem:$0x11D20] =	vst v63  }
0x79: {  	_ =	swait.ge [sflag:s26], $0x1000  }
0x7a: {  	[sflag:s26] =	ssyncset.done $0x0  }
0x7b: {  	[sflag:s26] =	ssyncadd.s32 $0xFFFFF000  }
0x7c: {  	_ =	swait.ge [sflag:s30], $0x1000  }
0x7d: {  	[sflag:s30] =	ssyncset.done $0x0  }
0x7e: {  	[sflag:s30] =	ssyncadd.s32 $0xFFFFF000  }
0x7f: {  	_ =	swait.ge [sflag:s1], $0x1000  }
0x80: {  	s21 =	sadd.s32 $0x1, s21;
	[sflag:s1] =	ssyncset.done $0x0  }
0x81: {  	p0 =	sne.s32 s21, s10;
	[sflag:s1] =	ssyncadd.s32 $0xFFFFF000  }
.Ltmp1:
0x82: {  	[bflag:$0x0] =	sbarrier.arrive $0xFFFF;
	(pc) =	sbr.rel @p0 .LBB2_1-.Ltmp1, $4  }
0x83: {  	[hbm:s9], [sflag:s13] =	dma.local [spmem:s14], $0x9E0  }
0x84: {  	_ =	swait.ge [sflag:s11], $0x9E0  }
0x85: {  	[sflag:s11] =	ssyncset.done $0x0  }
0x86: {  	[sflag:s11] =	ssyncadd.s32 $0xFFFFF620  }
0x87: {  	_ =	sfence.sel $0x180000  }
0x88: {  	[bflag:$0x0] =	sbarrier.arrive $0xFFFF  }
0x89: {  	_ =	strace $0x9000004D  }
0x8a: {  	s0 =	stileid.u32;
	[bflag:$0x2] =	sbarrier.arrive $0xFFFF  }
0x8b: {  	p0 =	sne.s32 s0, $0x0;
	s0 =	rddreg [dreg:$0x4]  }
0x8c: {  	s0 =	sadd.s32 @!p0 $0x100000, s0  }
0x8d: {  	[sflag:s0] =	ssyncadd.tile.s32 @!p0 $0x1;
	_ =	shalt  }
.Lfunc_end2:
_tile_overlayer_lowered:
.L_overlay_start_2:
0x8e: {  	(tag) =	ssettag $0x2  }
0x8f: {  	s0 =	rddreg [dreg:$0x0];
	s2 =	stileid.u32  }
0x90: {  	s1 =	rddreg [dreg:$0x1];
	p0 =	sne.s32 s2, $0x0  }
0x91: {  	s3 =	rddreg [dreg:$0x2];
	[bflag:$0x3] =	sbarrier.arrive $0xFFFF;
	s2 =	simm.s32 @!p0 $0x1C07  }
0x92: {  	[timem:s3], [sflag:s2] =	dma.local @!p0 [hbm:s0], s1  }
0x93: {  	s0 =	simm.s32 @!p0 $0x7  }
0x94: {  	_ =	swait.ge @!p0 [sflag:s0], s1  }
0x95: {  	s1 =	ssub.s32 @!p0 $0x0, s1;
	[sflag:s0] =	ssyncset.done @!p0 $0x0  }
0x96: {  	[sflag:s0] =	ssyncadd.s32 @!p0 s1  }
0x97: {  	[bflag:$0x3] =	sbarrier.arrive $0xFFFF  }
0x98: {  	_ =	shalt  }

// kernel: kernel.8.cloned.1.call-start
scs
__scs_entry_jumppad:
0x0: {  	(pc) =	sbr.rel $0x88, $3  }
0x1: {  	(tag) =	ssettag $0x0;
	lr =	simm.s32 $0x1  }
0x2: {  	[smem:$0x3F9B] =	sst lr;
	_ =	strace $0xD0000000  }
0x3: {  	_ = 	snop  }
0x4: {  	_ = 	snop  }
0x5: {  	_ = 	snop  }
0x6: {  	_ = 	snop  }
0x7: {  	_ = 	snop  }
__scs_overlays_trampoline_lowered:
0x8: {  	[smem:$0x3FAA] =	sst s0  }
0x9: {  	[smem:$0x3FAB] =	sst s1  }
0xa: {  	[smem:$0x3FAC] =	sst s2  }
0xb: {  	[smem:$0x3FAD] =	sst s3  }
0xc: {  	[smem:$0x3FAE] =	sst s4  }
0xd: {  	[smem:$0x3FAF] =	sst s5  }
0xe: {  	[smem:$0x3FB0] =	sst s6  }
0xf: {  	[smem:$0x3FB1] =	sst s7  }
0x10: {  	[smem:$0x3FB2] =	sst s8  }
0x11: {  	[smem:$0x3FB3] =	sst s9;
	s0 =	simm.s32 @!p0 $0x0  }
0x12: {  	s1 =	sld [smem:$0x3F99];
	s0 =	simm.s32 @p0 $0x1  }
0x13: {  	[smem:$0x3FB4] =	sst s0;
	s0 =	simm.s32 @!p1 $0x0  }
0x14: {  	s2 =	sld [smem:$0x3F98];
	s0 =	simm.s32 @p1 $0x1  }
0x15: {  	[smem:$0x3FB5] =	sst s0;
	s0 =	simm.s32 @!p2 $0x0  }
0x16: {  	s3 =	sld [smem:$0x3FDB];
	s0 =	simm.s32 @p2 $0x1  }
0x17: {  	s4 =	simm.s32 $0x1BF5;
	[smem:$0x3FB7] =	sst s0  }
0x18: {  	s0 =	sld [smem:$0x3F9A];
	_ =	swait.ge [sflag:s4], $0x0  }
0x19: {  	s7 =	sld [smem:$0x3F9B]  }
0x1a: {  	s8 =	sadd.s32 $0xFFFFE003, lr  }
0x1b: {  	s9 =	sadd.s32 $0xFFFFFEF7, lr;
	s5 =	simm.s32 $0xFFFFFFFF;
	p2 =	slt.u32 s8, $0xFFFFF086  }
0x1c: {  	p1 =	slt.u32 s9, $0xF7A;
	s5 =	simm.s32 @!p2 $0x0  }
0x1d: {  	s5 =	simm.s32 @p1 $0x1;
	p0 =	seq.s32 s7, s2  }
0x1e: {  	s7 =	smul.u32 @!p0 $0xF7A, s2;
	p2 =	seq.s32 @!p0 s5, $0x0  }
0x1f: {  	s9 =	smul.u32 $0xF7A, s1;
	s8 =	simm.s32 @!p0 $0x1BF5;
	p2 =	por !p2, p0  }
0x20: {  	[sflag:s8] =	ssyncset.s32 @!p0 $0xFFFFF086;
	s6 =	sadd.s32 @!p0 s3, s7;
	s7 =	simm.s32 @!p0 $0x108  }
0x21: {  	s3 =	sadd.s32 s3, s9;
	s6 =	sadd.s32 @!p0 $0x88, s6;
	s7 =	simm.s32 @p2 $0x1082  }
0x22: {  	[simem:s7], [sflag:s8] =	dma.local @!p0 [hbm:s6], $0xF7A  }
0x23: {  	s9 =	sor.u32 $0xD0000000, s2;
	s6 =	simm.s32 $0x108;
	_ =	swait.ge @!p0 [sflag:s8], $0x0  }
0x24: {  	s3 =	sadd.s32 $0x88, s3;
	s6 =	simm.s32 @!p1 $0x1082;
	[sflag:s4] =	ssyncset.s32 $0xFFFFF086  }
0x25: {  	[simem:s6], [sflag:s4] =	dma.local [hbm:s3], $0xF7A  }
0x26: {  	[smem:$0x3F9B] =	sst s1;
	(tag) =	ssettag s2;
	_ =	strace s9  }
0x27: {  	s1 =	sld [smem:$0x3FAB]  }
0x28: {  	s2 =	sld [smem:$0x3FAC]  }
0x29: {  	s4 =	sld [smem:$0x3FAE]  }
0x2a: {  	p0 =	seq.s32 s5, $0x0;
	s5 =	sld [smem:$0x3FAF]  }
0x2b: {  	s6 =	sld [smem:$0x3FB0]  }
0x2c: {  	s7 =	sld [smem:$0x3FB1]  }
0x2d: {  	s3 =	simm.s32 $0x108;
	s8 =	sld [smem:$0x3FB2]  }
0x2e: {  	s3 =	simm.s32 @!p0 $0x1082;
	s9 =	sld [smem:$0x3FB3]  }
0x2f: {  	lr =	sadd.s32 s0, s3;
	s0 =	sld [smem:$0x3FAA]  }
0x30: {  	s3 =	sld [smem:$0x3FAD]  }
0x31: {  	[smem:$0x3FB6] =	sst s10  }
0x32: {  	s10 =	sld [smem:$0x3FB4];
	_ =	sdelay $0x3  }
0x33: {  	p0 =	seq.s32 s10, $0x1;
	s10 =	sld [smem:$0x3FB6];
	_ =	sdelay $0x3  }
0x34: {  	[smem:$0x3FB6] =	sst s10  }
0x35: {  	s10 =	sld [smem:$0x3FB5];
	_ =	sdelay $0x3  }
0x36: {  	p1 =	seq.s32 s10, $0x1;
	s10 =	sld [smem:$0x3FB6];
	_ =	sdelay $0x3  }
0x37: {  	[smem:$0x3FB6] =	sst s10  }
0x38: {  	s10 =	sld [smem:$0x3FB7]  }
0x39: {  	_ = 	snop;
	(pc) =	sbr.ind lr, $3  }
0x3a: {  	_ = 	snop  }
0x3b: {  	_ = 	snop  }
0x3c: {  	p2 =	seq.s32 s10, $0x1;
	s10 =	sld [smem:$0x3FB6]  }
0x3d: {  	_ =	shalt  }
0x3e: {  	_ =	shalt  }
0x3f: {  	_ =	shalt  }
0x40: {  	_ =	shalt  }
0x41: {  	_ =	shalt  }
0x42: {  	_ =	shalt  }
0x43: {  	_ =	shalt  }
0x44: {  	_ =	shalt  }
0x45: {  	_ =	shalt  }
0x46: {  	_ =	shalt  }
0x47: {  	_ =	shalt  }
0x48: {  	_ =	shalt  }
0x49: {  	_ =	shalt  }
0x4a: {  	_ =	shalt  }
0x4b: {  	_ =	shalt  }
0x4c: {  	_ =	shalt  }
0x4d: {  	_ =	shalt  }
0x4e: {  	_ =	shalt  }
0x4f: {  	_ =	shalt  }
0x50: {  	_ =	shalt  }
0x51: {  	_ =	shalt  }
0x52: {  	_ =	shalt  }
0x53: {  	_ =	shalt  }
0x54: {  	_ =	shalt  }
0x55: {  	_ =	shalt  }
0x56: {  	_ =	shalt  }
0x57: {  	_ =	shalt  }
0x58: {  	_ =	shalt  }
0x59: {  	_ =	shalt  }
0x5a: {  	_ =	shalt  }
0x5b: {  	_ =	shalt  }
0x5c: {  	_ =	shalt  }
0x5d: {  	_ =	shalt  }
0x5e: {  	_ =	shalt  }
0x5f: {  	_ =	shalt  }
0x60: {  	_ =	shalt  }
0x61: {  	_ =	shalt  }
0x62: {  	_ =	shalt  }
0x63: {  	_ =	shalt  }
0x64: {  	_ =	shalt  }
0x65: {  	_ =	shalt  }
0x66: {  	_ =	shalt  }
0x67: {  	_ =	shalt  }
0x68: {  	_ =	shalt  }
0x69: {  	_ =	shalt  }
0x6a: {  	_ =	shalt  }
0x6b: {  	_ =	shalt  }
0x6c: {  	_ =	shalt  }
0x6d: {  	_ =	shalt  }
0x6e: {  	_ =	shalt  }
0x6f: {  	_ =	shalt  }
0x70: {  	_ =	shalt  }
0x71: {  	_ =	shalt  }
0x72: {  	_ =	shalt  }
0x73: {  	_ =	shalt  }
0x74: {  	_ =	shalt  }
0x75: {  	_ =	shalt  }
0x76: {  	_ =	shalt  }
0x77: {  	_ =	shalt  }
0x78: {  	_ =	shalt  }
0x79: {  	_ =	shalt  }
0x7a: {  	_ =	shalt  }
0x7b: {  	_ =	shalt  }
0x7c: {  	_ =	shalt  }
0x7d: {  	_ =	shalt  }
0x7e: {  	_ =	shalt  }
0x7f: {  	_ =	shalt  }
0x80: {  	_ =	shalt  }
0x81: {  	_ =	shalt  }
0x82: {  	_ =	shalt  }
0x83: {  	_ =	shalt  }
0x84: {  	_ =	shalt  }
0x85: {  	_ =	shalt  }
0x86: {  	_ =	shalt  }
0x87: {  	_ =	shalt  }
.Lfunc_end0:
.L_simem_size_0:
called_computation_lowered:
.L_overlay_start_0:
0x88: {  	s2 =	sld [smem:$0x3FD9]  }
0x89: {  	s3 =	sld [smem:$0x3FFE];
	_ =	sdelay $0x1  }
0x8a: {  	s1 =	srdreg.scid  }
0x8b: {  	s0 =	sand.u32 $0x1, s1  }
0x8c: {  	s17 =	sshll.u32 s0, $0xA;
	s2 =	sadd.s32 s3, s2  }
0x8d: {  	s2 =	sadd.s32 s2, s17  }
0x8e: {  	[smem:$0x3FC2] =	sst s2  }
0x8f: {  	_ = 	snop  }
0x90: {  	s2 =	sld [smem:$0x3FD0];
	(tm) =	ssettm $0x1  }
0x91: {  	s18 =	sld [smem:$0x3FFB];
	_ =	sdelay $0x3  }
0x92: {  	_ =	strace s18  }
0x93: {  	s3 =	sld [smem:$0x3FFC];
	_ =	sdelay $0x3  }
0x94: {  	_ =	strace s3  }
0x95: {  	s3 =	sld [smem:$0x3FFD];
	_ =	sdelay $0x3  }
0x96: {  	_ =	strace s3  }
0x97: {  	_ =	strace $0x8FFFFFFF  }
0x98: {  	s19 =	sld [smem:$0x3FDB];
	_ =	sdelay $0x1  }
0x99: {  	s4 =	simm.s32 $_scs_section_size  }
0x9a: {  	s5 =	simm.s32 $_size__tile_overlayer_lowered;
	s6 =	simm.s32 $_tile_overlayer_lowered  }
0x9b: {  	s22 =	simm.s32 $0x1BFF;
	s21 =	sshll.u32 s6, $0x1;
	s3 =	sadd.s32 s4, s19  }
0x9c: {  	s7 =	simm.s32 $0x0;
	s20 =	sshll.u32 s5, $0x1;
	s5 =	sadd.s32 s21, s3  }
0x9d: {  	[timem:s7], [sflag:s22] =	dma.local [hbm:s5], s20  }
0x9e: {  	_ =	swait.ge [sflag:s22], s20  }
0x9f: {  	s4 =	ssub.s32 $0x0, s20;
	[sflag:s22] =	ssyncset.done $0x0  }
0xa0: {  	[sflag:s22] =	ssyncadd.s32 s4;
	_ =	sdelay $0x1  }
0xa1: {  	s23 =	simm.s32 $0x1B8B  }
0xa2: {  	_ =	swait.ge [sflag:s23], $0x1  }
0xa3: {  	[sflag:s23] =	ssyncset.done $0x0  }
0xa4: {  	s25 =	simm.s32 $0x1B8E;
	s24 =	sld [smem:$0x3FFE];
	[sflag:s23] =	ssyncadd.s32 $0xFFFFFFFF  }
0xa5: {  	s26 =	simm.s32 $execute0_lowered;
	[smem:$0x3FD2] =	sst s25  }
0xa6: {  	s5 =	sshll.u32 s26, $0x1;
	_ =	strace $0x80000046;
	[dreg:$0x1] =	wrdreg $0xFFFFFFFF  }
0xa7: {  	s28 =	simm.s32 $_size_execute0_lowered;
	s3 =	sadd.s32 s3, s5;
	[dreg:$0x0] =	wrdreg $0x0  }
0xa8: {  	s5 =	sshll.u32 s28, $0x1;
	[dreg:$0x2] =	wrdreg s3  }
0xa9: {  	[dreg:$0x3] =	wrdreg s5  }
0xaa: {  	[dreg:$0x4] =	wrdreg $0xC0  }
0xab: {  	_ =	task [dreg:s7], $0x5FFFF  }
0xac: {  	[dreg:$0x1] =	wrdreg $0xFFFFFFFF  }
0xad: {  	[dreg:$0x0] =	wrdreg $0x60  }
0xae: {  	[dreg:$0x2] =	wrdreg s24  }
0xaf: {  	[dreg:$0x3] =	wrdreg s2  }
0xb0: {  	[dreg:$0x4] =	wrdreg $0x48000  }
0xb1: {  	[dreg:$0x5] =	wrdreg $0x9  }
0xb2: {  	_ =	task.clear_ibuf [dreg:s7], $0x6FFFF;
	_ =	strace $0x90000046  }
0xb3: {  	s29 =	simm.s32 $0x9;
	_ =	strace $0x80000048  }
0xb4: {  	_ =	swait.ge [sflag:s29], $0x1  }
0xb5: {  	[sflag:s29] =	ssyncadd.s32 $0xFFFFFFFF  }
0xb6: {  	_ =	strace $0x90000048  }
0xb7: {  	_ =	sfence  }
0xb8: {  	s30 =	sld [smem:$0x0];
	_ =	sdelay $0x2  }
0xb9: {  	s31 =	sshll.u32 s1, $0xD;
	s1 =	sshrl.u32 s1, $0x2  }
0xba: {  	s3 =	sand.u32 $0x4000, s31;
	s1 =	sadd.s32 s1, s30  }
0xbb: {  	s0 =	sor.u32 s3, s0;
	s1 =	sshll.u32 s1, $0x11  }
0xbc: {  	s0 =	sor.u32 s1, s0  }
0xbd: {  	s0 =	sadd.s32 $0x8F2B, s0  }
0xbe: {  	[sflag:s0] =	ssyncadd.remote.s32 $0x1  }
0xbf: {  	_ =	sfence.sel $0xFFFF  }
0xc0: {  	[dreg:$0x0] =	wrdreg $0xFFFFFFFF;
	(pc) =	sbr.abs _section_cstart, $3  }
0xc1: {  	[dreg:$0x1] =	wrdreg $0xFFFFFFFF  }
0xc2: {  	_ =	task.clear_ibuf [dreg:s7], $0x2FFFF;
	_ =	strace $0x9FFFFFFF  }
0xc3: {  	(tm) =	ssettm $0x7FFFFFFF  }
tec
execute0_lowered:
.L_overlay_start_1:
0x0: {  	(tag) =	ssettag $0x1  }
0x1: {  	s0 =	rddreg [dreg:$0x0]  }
0x2: {  	s1 =	srdreg.scid;
	s2 =	rddreg [dreg:$0x1]  }
0x3: {  	s7 =	rddreg [dreg:$0x2];
	s10 =	stileid.u32  }
0x4: {  	s8 =	simm.s32 $0x0;
	s9 =	simm.s32 $0x2800;
	s13 =	simm.s32 $0x400  }
0x5: {  	s14 =	simm.s32 $0x600;
	s15 =	simm.s32 $0x800;
	s16 =	simm.s32 $0xA00  }
0x6: {  	s17 =	simm.s32 $0xC00;
	s18 =	simm.s32 $0xE00;
	s19 =	simm.s32 $0x1000  }
0x7: {  	s20 =	simm.s32 $0x1200;
	s21 =	simm.s32 $0x1400;
	p0 =	por $0x0, $0x0  }
0x8: {  	s28 =	simm.s32 $0x2000;
	s29 =	simm.s32 $0x2200;
	s30 =	simm.s32 $0x2400  }
0x9: {  	s31 =	simm.s32 $0x2600;
	s1 =	sand.u32 $0x1, s1;
	[smem:$0x7FF] =	sst s8  }
0xa: {  	s4 =	smul.u32 $0x2780, s10;
	s5 =	sadd.s32 $0x10600, s0;
	s26 =	sshll.u32 s10, $0x6  }
0xb: {  	s3 =	sshll.u32 s1, $0x4;
	_ =	strace $0x80000047;
	s6 =	smul.u32 $0x27800, s1  }
0xc: {  	[dreg:$0x4] =	wrdreg s5;
	s1 =	ssub.s32 $0x2, s1;
	s3 =	sor.u32 s10, s3  }
0xd: {  	s22 =	sshrl.u32 s4, $0x3;
	s23 =	sshrl.u32 s1, $0x1;
	s25 =	sadd.s32 s4, s7  }
0xe: {  	s10 =	simm.s32 $0x200;
	s6 =	sadd.s32 s4, s6;
	s1 =	ssub.s32 s1, s23  }
0xf: {  	s3 =	smul.u32 $0x500, s3;
	s24 =	sshrl.u32 s6, $0x3;
	s6 =	smax.u32 s1, $0x1  }
0x10: {  	s4 =	sor.u32 $0x1C02, s26;
	s5 =	sshrl.u32 s25, $0x3;
	p1 =	sne.s32 s6, $0x1  }
.Ltmp0:
0x11: {  	s23 =	simm.s32 $0x1800;
	s25 =	simm.s32 $0x1C00;
	(pc) =	sbr.rel @!p1 .LBB2_3-.Ltmp0, $4  }
0x12: {  	s26 =	simm.s32 $0x1E00;
	s1 =	rddreg [dreg:$0x4];
	s3 =	sadd.s32 s3, s0  }
0x13: {  	s0 =	sadd.s32 s22, s0;
	s2 =	sadd.s32 s2, s24;
	s22 =	simm.s32 $0x1600  }
0x14: {  	s24 =	simm.s32 $0x1A00;
	s12 =	sadd.s32 $0x1600, s3;
	s11 =	sadd.s32 $0xB600, s0  }
0x15: {  	s3 =	simm.s32 $0x2;
	s0 =	sadd.s32 $0xFFFFFFFF, s6;
	s6 =	simm.s32 $0x1  }
0x16: {  	[tilespmem:s9], [sflag:$0x2] =	stream.linear.gather [hbm4b:s1+s8], $0x2000, $0x38;
	[tilespmem:$0x6F80] =	vst v63  }
0x17: {  	_ =	swait.ge [sflag:s3], $0x2000  }
0x18: {  	[sflag:s3] =	ssyncset.done $0x0  }
0x19: {  	[sflag:s3] =	ssyncadd.s32 $0xFFFFE000  }
0x1a: {  	[tilespmem:s8], [sflag:$0x2] =	stream.linear.gather [hbm4b:s12+s8], $0x2800, $0x38;
	[tilespmem:$0x6F80] =	vst v63  }
0x1b: {  	_ =	swait.ge [sflag:s3], $0x2800  }
0x1c: {  	[sflag:s3] =	ssyncset.done $0x0  }
0x1d: {  	[sflag:s3] =	ssyncadd.s32 $0xFFFFD800  }
0x1e: {  	[spmem:s5], [sflag:s4] =	dma.local [hbm:s11], $0x4F0  }
0x1f: {  	_ =	swait.ge [sflag:s3], $0x4F0  }
0x20: {  	[sflag:s3] =	ssyncset.done $0x0  }
0x21: {  	[sflag:s3] =	ssyncadd.s32 $0xFFFFFB10  }
0x22: {  	[bflag:$0x0] =	sbarrier.arrive $0xFFFF  }
0x23: {  	[spmem:s7] =	stream.indirect.scatter.add.f32 [tilespmem:s9], [sflag:$0x1], $0x10, s8, s10, $0xb8;
	[tilespmem:$0x6F80] =	vst v63  }
0x24: {  	_ = 	snop  }
0x25: {  	[spmem:s7] =	stream.indirect.scatter.add.f32 [tilespmem:s9], [sflag:$0x1], $0x10, s10, s10, $0xb8;
	[tilespmem:$0x6F80] =	vst v63  }
0x26: {  	_ = 	snop  }
0x27: {  	[spmem:s7] =	stream.indirect.scatter.add.f32 [tilespmem:s9], [sflag:$0x1], $0x10, s13, s10, $0xb8;
	[tilespmem:$0x6F80] =	vst v63  }
0x28: {  	_ = 	snop  }
0x29: {  	[spmem:s7] =	stream.indirect.scatter.add.f32 [tilespmem:s9], [sflag:$0x1], $0x10, s14, s10, $0xb8;
	[tilespmem:$0x6F80] =	vst v63  }
0x2a: {  	_ = 	snop  }
0x2b: {  	[spmem:s7] =	stream.indirect.scatter.add.f32 [tilespmem:s9], [sflag:$0x1], $0x10, s15, s10, $0xb8;
	[tilespmem:$0x6F80] =	vst v63  }
0x2c: {  	_ = 	snop  }
0x2d: {  	[spmem:s7] =	stream.indirect.scatter.add.f32 [tilespmem:s9], [sflag:$0x1], $0x10, s16, s10, $0xb8;
	[tilespmem:$0x6F80] =	vst v63  }
0x2e: {  	_ = 	snop  }
0x2f: {  	[spmem:s7] =	stream.indirect.scatter.add.f32 [tilespmem:s9], [sflag:$0x1], $0x10, s17, s10, $0xb8;
	[tilespmem:$0x6F80] =	vst v63  }
0x30: {  	_ = 	snop  }
0x31: {  	[spmem:s7] =	stream.indirect.scatter.add.f32 [tilespmem:s9], [sflag:$0x1], $0x10, s18, s10, $0xb8;
	[tilespmem:$0x6F80] =	vst v63  }
0x32: {  	_ = 	snop  }
0x33: {  	[spmem:s7] =	stream.indirect.scatter.add.f32 [tilespmem:s9], [sflag:$0x1], $0x10, s19, s10, $0xb8;
	[tilespmem:$0x6F80] =	vst v63  }
0x34: {  	_ = 	snop  }
0x35: {  	[spmem:s7] =	stream.indirect.scatter.add.f32 [tilespmem:s9], [sflag:$0x1], $0x10, s20, s10, $0xb8;
	[tilespmem:$0x6F80] =	vst v63  }
0x36: {  	_ = 	snop  }
0x37: {  	[spmem:s7] =	stream.indirect.scatter.add.f32 [tilespmem:s9], [sflag:$0x1], $0x10, s21, s10, $0xb8;
	[tilespmem:$0x6F80] =	vst v63  }
0x38: {  	_ = 	snop  }
0x39: {  	[spmem:s7] =	stream.indirect.scatter.add.f32 [tilespmem:s9], [sflag:$0x1], $0x10, s22, s10, $0xb8;
	[tilespmem:$0x6F80] =	vst v63  }
0x3a: {  	_ = 	snop  }
0x3b: {  	[spmem:s7] =	stream.indirect.scatter.add.f32 [tilespmem:s9], [sflag:$0x1], $0x10, s23, s10, $0xb8;
	[tilespmem:$0x6F80] =	vst v63  }
0x3c: {  	_ = 	snop  }
0x3d: {  	[spmem:s7] =	stream.indirect.scatter.add.f32 [tilespmem:s9], [sflag:$0x1], $0x10, s24, s10, $0xb8;
	[tilespmem:$0x6F80] =	vst v63  }
0x3e: {  	_ = 	snop  }
0x3f: {  	[spmem:s7] =	stream.indirect.scatter.add.f32 [tilespmem:s9], [sflag:$0x1], $0x10, s25, s10, $0xb8;
	[tilespmem:$0x6F80] =	vst v63  }
0x40: {  	_ = 	snop  }
0x41: {  	[spmem:s7] =	stream.indirect.scatter.add.f32 [tilespmem:s9], [sflag:$0x1], $0x10, s26, s10, $0xb8;
	[tilespmem:$0x6F80] =	vst v63  }
0x42: {  	_ = 	snop  }
0x43: {  	[spmem:s7] =	stream.indirect.scatter.add.f32 [tilespmem:s9], [sflag:$0x1], $0x10, s28, s10, $0xb8;
	[tilespmem:$0x6F80] =	vst v63  }
0x44: {  	_ = 	snop  }
0x45: {  	[spmem:s7] =	stream.indirect.scatter.add.f32 [tilespmem:s9], [sflag:$0x1], $0x10, s29, s10, $0xb8;
	[tilespmem:$0x6F80] =	vst v63  }
0x46: {  	_ = 	snop  }
0x47: {  	[spmem:s7] =	stream.indirect.scatter.add.f32 [tilespmem:s9], [sflag:$0x1], $0x10, s30, s10, $0xb8;
	[tilespmem:$0x6F80] =	vst v63  }
0x48: {  	_ = 	snop  }
0x49: {  	[spmem:s7] =	stream.indirect.scatter.add.f32 [tilespmem:s9], [sflag:$0x1], $0x10, s31, s10, $0xb8;
	[tilespmem:$0x6F80] =	vst v63  }
0x4a: {  	_ =	swait.ge [sflag:s6], $0x2000  }
0x4b: {  	[sflag:s6] =	ssyncset.done $0x0  }
0x4c: {  	[sflag:s6] =	ssyncadd.s32 $0xFFFFE000  }
0x4d: {  	_ =	swait.ge [sflag:s6], $0x2000  }
0x4e: {  	[sflag:s6] =	ssyncset.done $0x0  }
0x4f: {  	[sflag:s6] =	ssyncadd.s32 $0xFFFFE000  }
0x50: {  	_ =	swait.ge [sflag:s6], $0x2000  }
0x51: {  	[sflag:s6] =	ssyncset.done $0x0  }
0x52: {  	[sflag:s6] =	ssyncadd.s32 $0xFFFFE000  }
0x53: {  	_ =	swait.ge [sflag:s6], $0x2000  }
0x54: {  	[sflag:s6] =	ssyncset.done $0x0  }
0x55: {  	[sflag:s6] =	ssyncadd.s32 $0xFFFFE000  }
0x56: {  	_ =	swait.ge [sflag:s6], $0x2000  }
0x57: {  	[sflag:s6] =	ssyncset.done $0x0  }
0x58: {  	[sflag:s6] =	ssyncadd.s32 $0xFFFFE000  }
0x59: {  	_ =	swait.ge [sflag:s6], $0x2000  }
0x5a: {  	[sflag:s6] =	ssyncset.done $0x0  }
0x5b: {  	[sflag:s6] =	ssyncadd.s32 $0xFFFFE000  }
0x5c: {  	_ =	swait.ge [sflag:s6], $0x2000  }
0x5d: {  	[sflag:s6] =	ssyncset.done $0x0  }
0x5e: {  	[sflag:s6] =	ssyncadd.s32 $0xFFFFE000  }
0x5f: {  	_ =	swait.ge [sflag:s6], $0x2000  }
0x60: {  	[sflag:s6] =	ssyncset.done $0x0  }
0x61: {  	[sflag:s6] =	ssyncadd.s32 $0xFFFFE000  }
0x62: {  	_ =	swait.ge [sflag:s6], $0x2000  }
0x63: {  	[sflag:s6] =	ssyncset.done $0x0  }
0x64: {  	[sflag:s6] =	ssyncadd.s32 $0xFFFFE000  }
0x65: {  	_ =	swait.ge [sflag:s6], $0x2000  }
0x66: {  	[sflag:s6] =	ssyncset.done $0x0  }
0x67: {  	[sflag:s6] =	ssyncadd.s32 $0xFFFFE000  }
0x68: {  	_ =	swait.ge [sflag:s6], $0x2000  }
0x69: {  	[sflag:s6] =	ssyncset.done $0x0  }
0x6a: {  	[sflag:s6] =	ssyncadd.s32 $0xFFFFE000  }
0x6b: {  	_ =	swait.ge [sflag:s6], $0x2000  }
0x6c: {  	[sflag:s6] =	ssyncset.done $0x0  }
0x6d: {  	[sflag:s6] =	ssyncadd.s32 $0xFFFFE000  }
0x6e: {  	_ =	swait.ge [sflag:s6], $0x2000  }
0x6f: {  	[sflag:s6] =	ssyncset.done $0x0  }
0x70: {  	[sflag:s6] =	ssyncadd.s32 $0xFFFFE000  }
0x71: {  	_ =	swait.ge [sflag:s6], $0x2000  }
0x72: {  	[sflag:s6] =	ssyncset.done $0x0  }
0x73: {  	[sflag:s6] =	ssyncadd.s32 $0xFFFFE000  }
0x74: {  	_ =	swait.ge [sflag:s6], $0x2000  }
0x75: {  	[sflag:s6] =	ssyncset.done $0x0  }
0x76: {  	[sflag:s6] =	ssyncadd.s32 $0xFFFFE000  }
0x77: {  	_ =	swait.ge [sflag:s6], $0x2000  }
0x78: {  	[sflag:s6] =	ssyncset.done $0x0  }
0x79: {  	[sflag:s6] =	ssyncadd.s32 $0xFFFFE000  }
0x7a: {  	_ =	swait.ge [sflag:s6], $0x2000  }
0x7b: {  	[sflag:s6] =	ssyncset.done $0x0  }
0x7c: {  	[sflag:s6] =	ssyncadd.s32 $0xFFFFE000  }
0x7d: {  	_ =	swait.ge [sflag:s6], $0x2000  }
0x7e: {  	[sflag:s6] =	ssyncset.done $0x0  }
0x7f: {  	[sflag:s6] =	ssyncadd.s32 $0xFFFFE000  }
0x80: {  	_ =	swait.ge [sflag:s6], $0x2000  }
0x81: {  	[sflag:s6] =	ssyncset.done $0x0  }
0x82: {  	[sflag:s6] =	ssyncadd.s32 $0xFFFFE000  }
0x83: {  	_ =	swait.ge [sflag:s6], $0x2000  }
0x84: {  	p1 =	sne.s32 s0, $0x1;
	[sflag:s6] =	ssyncset.done $0x0  }
.Ltmp1:
0x85: {  	[sflag:s6] =	ssyncadd.s32 $0xFFFFE000;
	(pc) =	sbr.rel @!p1 .LBB2_3-.Ltmp1, $4  }
0x86: {  	[bflag:$0x0] =	sbarrier.arrive $0xFFFF  }
0x87: {  	[hbm:s2], [sflag:s4] =	dma.local [spmem:s5], $0x4F0  }
0x88: {  	s0 =	sadd.s32 $0xFFFFFFFF, s0;
	_ =	swait.ge [sflag:s3], $0x4F0  }
0x89: {  	p0 =	por $0x1, $0x1;
	s1 =	rddreg [dreg:$0x4];
	[sflag:s3] =	ssyncset.done $0x0  }
.LBB2_2:
0x8a: {  	[sflag:s3] =	ssyncadd.s32 $0xFFFFFB10  }
0x8b: {  	[tilespmem:s9], [sflag:$0x2] =	stream.linear.gather [hbm4b:s1+s8], $0x2000, $0x38;
	[tilespmem:$0x6F80] =	vst v63  }
0x8c: {  	_ =	swait.ge [sflag:s3], $0x2000  }
0x8d: {  	[sflag:s3] =	ssyncset.done $0x0  }
0x8e: {  	[sflag:s3] =	ssyncadd.s32 $0xFFFFE000  }
0x8f: {  	[tilespmem:s8], [sflag:$0x2] =	stream.linear.gather [hbm4b:s12+s8], $0x2800, $0x38;
	[tilespmem:$0x6F80] =	vst v63  }
0x90: {  	_ =	swait.ge [sflag:s3], $0x2800  }
0x91: {  	[sflag:s3] =	ssyncset.done $0x0  }
0x92: {  	[sflag:s3] =	ssyncadd.s32 $0xFFFFD800  }
0x93: {  	[spmem:s5], [sflag:s4] =	dma.local [hbm:s11], $0x4F0  }
0x94: {  	_ =	swait.ge [sflag:s3], $0x4F0  }
0x95: {  	[sflag:s3] =	ssyncset.done $0x0  }
0x96: {  	[sflag:s3] =	ssyncadd.s32 $0xFFFFFB10  }
0x97: {  	[bflag:$0x0] =	sbarrier.arrive $0xFFFF  }
0x98: {  	[spmem:s7] =	stream.indirect.scatter.add.f32 [tilespmem:s9], [sflag:$0x1], $0x10, s8, s10, $0xb8;
	[tilespmem:$0x6F80] =	vst v63  }
0x99: {  	_ = 	snop  }
0x9a: {  	[spmem:s7] =	stream.indirect.scatter.add.f32 [tilespmem:s9], [sflag:$0x1], $0x10, s10, s10, $0xb8;
	[tilespmem:$0x6F80] =	vst v63  }
0x9b: {  	_ = 	snop  }
0x9c: {  	[spmem:s7] =	stream.indirect.scatter.add.f32 [tilespmem:s9], [sflag:$0x1], $0x10, s13, s10, $0xb8;
	[tilespmem:$0x6F80] =	vst v63  }
0x9d: {  	_ = 	snop  }
0x9e: {  	[spmem:s7] =	stream.indirect.scatter.add.f32 [tilespmem:s9], [sflag:$0x1], $0x10, s14, s10, $0xb8;
	[tilespmem:$0x6F80] =	vst v63  }
0x9f: {  	_ = 	snop  }
0xa0: {  	[spmem:s7] =	stream.indirect.scatter.add.f32 [tilespmem:s9], [sflag:$0x1], $0x10, s15, s10, $0xb8;
	[tilespmem:$0x6F80] =	vst v63  }
0xa1: {  	_ = 	snop  }
0xa2: {  	[spmem:s7] =	stream.indirect.scatter.add.f32 [tilespmem:s9], [sflag:$0x1], $0x10, s16, s10, $0xb8;
	[tilespmem:$0x6F80] =	vst v63  }
0xa3: {  	_ = 	snop  }
0xa4: {  	[spmem:s7] =	stream.indirect.scatter.add.f32 [tilespmem:s9], [sflag:$0x1], $0x10, s17, s10, $0xb8;
	[tilespmem:$0x6F80] =	vst v63  }
0xa5: {  	_ = 	snop  }
0xa6: {  	[spmem:s7] =	stream.indirect.scatter.add.f32 [tilespmem:s9], [sflag:$0x1], $0x10, s18, s10, $0xb8;
	[tilespmem:$0x6F80] =	vst v63  }
0xa7: {  	_ = 	snop  }
0xa8: {  	[spmem:s7] =	stream.indirect.scatter.add.f32 [tilespmem:s9], [sflag:$0x1], $0x10, s19, s10, $0xb8;
	[tilespmem:$0x6F80] =	vst v63  }
0xa9: {  	_ = 	snop  }
0xaa: {  	[spmem:s7] =	stream.indirect.scatter.add.f32 [tilespmem:s9], [sflag:$0x1], $0x10, s20, s10, $0xb8;
	[tilespmem:$0x6F80] =	vst v63  }
0xab: {  	_ = 	snop  }
0xac: {  	[spmem:s7] =	stream.indirect.scatter.add.f32 [tilespmem:s9], [sflag:$0x1], $0x10, s21, s10, $0xb8;
	[tilespmem:$0x6F80] =	vst v63  }
0xad: {  	_ = 	snop  }
0xae: {  	[spmem:s7] =	stream.indirect.scatter.add.f32 [tilespmem:s9], [sflag:$0x1], $0x10, s22, s10, $0xb8;
	[tilespmem:$0x6F80] =	vst v63  }
0xaf: {  	_ = 	snop  }
0xb0: {  	[spmem:s7] =	stream.indirect.scatter.add.f32 [tilespmem:s9], [sflag:$0x1], $0x10, s23, s10, $0xb8;
	[tilespmem:$0x6F80] =	vst v63  }
0xb1: {  	_ = 	snop  }
0xb2: {  	[spmem:s7] =	stream.indirect.scatter.add.f32 [tilespmem:s9], [sflag:$0x1], $0x10, s24, s10, $0xb8;
	[tilespmem:$0x6F80] =	vst v63  }
0xb3: {  	_ = 	snop  }
0xb4: {  	[spmem:s7] =	stream.indirect.scatter.add.f32 [tilespmem:s9], [sflag:$0x1], $0x10, s25, s10, $0xb8;
	[tilespmem:$0x6F80] =	vst v63  }
0xb5: {  	_ = 	snop  }
0xb6: {  	[spmem:s7] =	stream.indirect.scatter.add.f32 [tilespmem:s9], [sflag:$0x1], $0x10, s26, s10, $0xb8;
	[tilespmem:$0x6F80] =	vst v63  }
0xb7: {  	_ = 	snop  }
0xb8: {  	[spmem:s7] =	stream.indirect.scatter.add.f32 [tilespmem:s9], [sflag:$0x1], $0x10, s28, s10, $0xb8;
	[tilespmem:$0x6F80] =	vst v63  }
0xb9: {  	_ = 	snop  }
0xba: {  	[spmem:s7] =	stream.indirect.scatter.add.f32 [tilespmem:s9], [sflag:$0x1], $0x10, s29, s10, $0xb8;
	[tilespmem:$0x6F80] =	vst v63  }
0xbb: {  	_ = 	snop  }
0xbc: {  	[spmem:s7] =	stream.indirect.scatter.add.f32 [tilespmem:s9], [sflag:$0x1], $0x10, s30, s10, $0xb8;
	[tilespmem:$0x6F80] =	vst v63  }
0xbd: {  	_ = 	snop  }
0xbe: {  	[spmem:s7] =	stream.indirect.scatter.add.f32 [tilespmem:s9], [sflag:$0x1], $0x10, s31, s10, $0xb8;
	[tilespmem:$0x6F80] =	vst v63  }
0xbf: {  	_ =	swait.ge [sflag:s6], $0x2000  }
0xc0: {  	[sflag:s6] =	ssyncset.done $0x0  }
0xc1: {  	[sflag:s6] =	ssyncadd.s32 $0xFFFFE000  }
0xc2: {  	_ =	swait.ge [sflag:s6], $0x2000  }
0xc3: {  	[sflag:s6] =	ssyncset.done $0x0  }
0xc4: {  	[sflag:s6] =	ssyncadd.s32 $0xFFFFE000  }
0xc5: {  	_ =	swait.ge [sflag:s6], $0x2000  }
0xc6: {  	[sflag:s6] =	ssyncset.done $0x0  }
0xc7: {  	[sflag:s6] =	ssyncadd.s32 $0xFFFFE000  }
0xc8: {  	_ =	swait.ge [sflag:s6], $0x2000  }
0xc9: {  	[sflag:s6] =	ssyncset.done $0x0  }
0xca: {  	[sflag:s6] =	ssyncadd.s32 $0xFFFFE000  }
0xcb: {  	_ =	swait.ge [sflag:s6], $0x2000  }
0xcc: {  	[sflag:s6] =	ssyncset.done $0x0  }
0xcd: {  	[sflag:s6] =	ssyncadd.s32 $0xFFFFE000  }
0xce: {  	_ =	swait.ge [sflag:s6], $0x2000  }
0xcf: {  	[sflag:s6] =	ssyncset.done $0x0  }
0xd0: {  	[sflag:s6] =	ssyncadd.s32 $0xFFFFE000  }
0xd1: {  	_ =	swait.ge [sflag:s6], $0x2000  }
0xd2: {  	[sflag:s6] =	ssyncset.done $0x0  }
0xd3: {  	[sflag:s6] =	ssyncadd.s32 $0xFFFFE000  }
0xd4: {  	_ =	swait.ge [sflag:s6], $0x2000  }
0xd5: {  	[sflag:s6] =	ssyncset.done $0x0  }
0xd6: {  	[sflag:s6] =	ssyncadd.s32 $0xFFFFE000  }
0xd7: {  	_ =	swait.ge [sflag:s6], $0x2000  }
0xd8: {  	[sflag:s6] =	ssyncset.done $0x0  }
0xd9: {  	[sflag:s6] =	ssyncadd.s32 $0xFFFFE000  }
0xda: {  	_ =	swait.ge [sflag:s6], $0x2000  }
0xdb: {  	[sflag:s6] =	ssyncset.done $0x0  }
0xdc: {  	[sflag:s6] =	ssyncadd.s32 $0xFFFFE000  }
0xdd: {  	_ =	swait.ge [sflag:s6], $0x2000  }
0xde: {  	[sflag:s6] =	ssyncset.done $0x0  }
0xdf: {  	[sflag:s6] =	ssyncadd.s32 $0xFFFFE000  }
0xe0: {  	_ =	swait.ge [sflag:s6], $0x2000  }
0xe1: {  	[sflag:s6] =	ssyncset.done $0x0  }
0xe2: {  	[sflag:s6] =	ssyncadd.s32 $0xFFFFE000  }
0xe3: {  	_ =	swait.ge [sflag:s6], $0x2000  }
0xe4: {  	[sflag:s6] =	ssyncset.done $0x0  }
0xe5: {  	[sflag:s6] =	ssyncadd.s32 $0xFFFFE000  }
0xe6: {  	_ =	swait.ge [sflag:s6], $0x2000  }
0xe7: {  	[sflag:s6] =	ssyncset.done $0x0  }
0xe8: {  	[sflag:s6] =	ssyncadd.s32 $0xFFFFE000  }
0xe9: {  	_ =	swait.ge [sflag:s6], $0x2000  }
0xea: {  	[sflag:s6] =	ssyncset.done $0x0  }
0xeb: {  	[sflag:s6] =	ssyncadd.s32 $0xFFFFE000  }
0xec: {  	_ =	swait.ge [sflag:s6], $0x2000  }
0xed: {  	[sflag:s6] =	ssyncset.done $0x0  }
0xee: {  	[sflag:s6] =	ssyncadd.s32 $0xFFFFE000  }
0xef: {  	_ =	swait.ge [sflag:s6], $0x2000  }
0xf0: {  	[sflag:s6] =	ssyncset.done $0x0  }
0xf1: {  	[sflag:s6] =	ssyncadd.s32 $0xFFFFE000  }
0xf2: {  	_ =	swait.ge [sflag:s6], $0x2000  }
0xf3: {  	[sflag:s6] =	ssyncset.done $0x0  }
0xf4: {  	[sflag:s6] =	ssyncadd.s32 $0xFFFFE000  }
0xf5: {  	_ =	swait.ge [sflag:s6], $0x2000  }
0xf6: {  	[sflag:s6] =	ssyncset.done $0x0  }
0xf7: {  	[sflag:s6] =	ssyncadd.s32 $0xFFFFE000  }
0xf8: {  	_ =	swait.ge [sflag:s6], $0x2000  }
0xf9: {  	p1 =	sne.s32 s0, $0x1;
	[sflag:s6] =	ssyncset.done $0x0  }
.Ltmp2:
0xfa: {  	[sflag:s6] =	ssyncadd.s32 $0xFFFFE000;
	(pc) =	sbr.rel @p1 .LBB2_2-.Ltmp2, $4  }
0xfb: {  	[bflag:$0x0] =	sbarrier.arrive $0xFFFF  }
0xfc: {  	[hbm:s2], [sflag:s4] =	dma.local [spmem:s5], $0x4F0  }
0xfd: {  	_ =	swait.ge [sflag:s3], $0x4F0  }
0xfe: {  	s0 =	sadd.s32 $0xFFFFFFFF, s0;
	s1 =	rddreg [dreg:$0x4];
	[sflag:s3] =	ssyncset.done $0x0  }
.LBB2_3:
0xff: {  	[sflag:s3] =	ssyncadd.s32 @p0 $0xFFFFFB10  }
0x100: {  	[tilespmem:s9], [sflag:$0x2] =	stream.linear.gather [hbm4b:s1+s8], $0x2000, $0x38;
	[tilespmem:$0x6F80] =	vst v63  }
0x101: {  	_ =	swait.ge [sflag:s3], $0x2000  }
0x102: {  	[sflag:s3] =	ssyncset.done $0x0  }
0x103: {  	[sflag:s3] =	ssyncadd.s32 $0xFFFFE000  }
0x104: {  	[tilespmem:s8], [sflag:$0x2] =	stream.linear.gather [hbm4b:s12+s8], $0x2800, $0x38;
	[tilespmem:$0x6F80] =	vst v63  }
0x105: {  	_ =	swait.ge [sflag:s3], $0x2800  }
0x106: {  	[sflag:s3] =	ssyncset.done $0x0  }
0x107: {  	[sflag:s3] =	ssyncadd.s32 $0xFFFFD800  }
0x108: {  	[spmem:s5], [sflag:s4] =	dma.local [hbm:s11], $0x4F0  }
0x109: {  	_ =	swait.ge [sflag:s3], $0x4F0  }
0x10a: {  	[sflag:s3] =	ssyncset.done $0x0  }
0x10b: {  	[sflag:s3] =	ssyncadd.s32 $0xFFFFFB10  }
0x10c: {  	[bflag:$0x0] =	sbarrier.arrive $0xFFFF  }
0x10d: {  	[spmem:s7] =	stream.indirect.scatter.add.f32 [tilespmem:s9], [sflag:$0x1], $0x10, s8, s10, $0xb8;
	[tilespmem:$0x6F80] =	vst v63  }
0x10e: {  	_ = 	snop  }
0x10f: {  	[spmem:s7] =	stream.indirect.scatter.add.f32 [tilespmem:s9], [sflag:$0x1], $0x10, s10, s10, $0xb8;
	[tilespmem:$0x6F80] =	vst v63  }
0x110: {  	_ = 	snop  }
0x111: {  	[spmem:s7] =	stream.indirect.scatter.add.f32 [tilespmem:s9], [sflag:$0x1], $0x10, s13, s10, $0xb8;
	[tilespmem:$0x6F80] =	vst v63  }
0x112: {  	_ = 	snop  }
0x113: {  	[spmem:s7] =	stream.indirect.scatter.add.f32 [tilespmem:s9], [sflag:$0x1], $0x10, s14, s10, $0xb8;
	[tilespmem:$0x6F80] =	vst v63  }
0x114: {  	_ = 	snop  }
0x115: {  	[spmem:s7] =	stream.indirect.scatter.add.f32 [tilespmem:s9], [sflag:$0x1], $0x10, s15, s10, $0xb8;
	[tilespmem:$0x6F80] =	vst v63  }
0x116: {  	_ = 	snop  }
0x117: {  	[spmem:s7] =	stream.indirect.scatter.add.f32 [tilespmem:s9], [sflag:$0x1], $0x10, s16, s10, $0xb8;
	[tilespmem:$0x6F80] =	vst v63  }
0x118: {  	_ = 	snop  }
0x119: {  	[spmem:s7] =	stream.indirect.scatter.add.f32 [tilespmem:s9], [sflag:$0x1], $0x10, s17, s10, $0xb8;
	[tilespmem:$0x6F80] =	vst v63  }
0x11a: {  	_ = 	snop  }
0x11b: {  	[spmem:s7] =	stream.indirect.scatter.add.f32 [tilespmem:s9], [sflag:$0x1], $0x10, s18, s10, $0xb8;
	[tilespmem:$0x6F80] =	vst v63  }
0x11c: {  	_ = 	snop  }
0x11d: {  	[spmem:s7] =	stream.indirect.scatter.add.f32 [tilespmem:s9], [sflag:$0x1], $0x10, s19, s10, $0xb8;
	[tilespmem:$0x6F80] =	vst v63  }
0x11e: {  	_ = 	snop  }
0x11f: {  	[spmem:s7] =	stream.indirect.scatter.add.f32 [tilespmem:s9], [sflag:$0x1], $0x10, s20, s10, $0xb8;
	[tilespmem:$0x6F80] =	vst v63  }
0x120: {  	_ = 	snop  }
0x121: {  	[spmem:s7] =	stream.indirect.scatter.add.f32 [tilespmem:s9], [sflag:$0x1], $0x10, s21, s10, $0xb8;
	[tilespmem:$0x6F80] =	vst v63  }
0x122: {  	_ = 	snop  }
0x123: {  	[spmem:s7] =	stream.indirect.scatter.add.f32 [tilespmem:s9], [sflag:$0x1], $0x10, s22, s10, $0xb8;
	[tilespmem:$0x6F80] =	vst v63  }
0x124: {  	_ = 	snop  }
0x125: {  	[spmem:s7] =	stream.indirect.scatter.add.f32 [tilespmem:s9], [sflag:$0x1], $0x10, s23, s10, $0xb8;
	[tilespmem:$0x6F80] =	vst v63  }
0x126: {  	_ = 	snop  }
0x127: {  	[spmem:s7] =	stream.indirect.scatter.add.f32 [tilespmem:s9], [sflag:$0x1], $0x10, s24, s10, $0xb8;
	[tilespmem:$0x6F80] =	vst v63  }
0x128: {  	_ = 	snop  }
0x129: {  	[spmem:s7] =	stream.indirect.scatter.add.f32 [tilespmem:s9], [sflag:$0x1], $0x10, s25, s10, $0xb8;
	[tilespmem:$0x6F80] =	vst v63  }
0x12a: {  	_ = 	snop  }
0x12b: {  	[spmem:s7] =	stream.indirect.scatter.add.f32 [tilespmem:s9], [sflag:$0x1], $0x10, s26, s10, $0xb8;
	[tilespmem:$0x6F80] =	vst v63  }
0x12c: {  	_ = 	snop  }
0x12d: {  	[spmem:s7] =	stream.indirect.scatter.add.f32 [tilespmem:s9], [sflag:$0x1], $0x10, s28, s10, $0xb8;
	[tilespmem:$0x6F80] =	vst v63  }
0x12e: {  	_ = 	snop  }
0x12f: {  	[spmem:s7] =	stream.indirect.scatter.add.f32 [tilespmem:s9], [sflag:$0x1], $0x10, s29, s10, $0xb8;
	[tilespmem:$0x6F80] =	vst v63  }
0x130: {  	_ = 	snop  }
0x131: {  	[spmem:s7] =	stream.indirect.scatter.add.f32 [tilespmem:s9], [sflag:$0x1], $0x10, s30, s10, $0xb8;
	[tilespmem:$0x6F80] =	vst v63  }
0x132: {  	_ = 	snop  }
0x133: {  	[spmem:s7] =	stream.indirect.scatter.add.f32 [tilespmem:s9], [sflag:$0x1], $0x10, s31, s10, $0xb8;
	[tilespmem:$0x6F80] =	vst v63  }
0x134: {  	_ =	swait.ge [sflag:s6], $0x2000  }
0x135: {  	[sflag:s6] =	ssyncset.done $0x0  }
0x136: {  	[sflag:s6] =	ssyncadd.s32 $0xFFFFE000  }
0x137: {  	_ =	swait.ge [sflag:s6], $0x2000  }
0x138: {  	[sflag:s6] =	ssyncset.done $0x0  }
0x139: {  	[sflag:s6] =	ssyncadd.s32 $0xFFFFE000  }
0x13a: {  	_ =	swait.ge [sflag:s6], $0x2000  }
0x13b: {  	[sflag:s6] =	ssyncset.done $0x0  }
0x13c: {  	[sflag:s6] =	ssyncadd.s32 $0xFFFFE000  }
0x13d: {  	_ =	swait.ge [sflag:s6], $0x2000  }
0x13e: {  	[sflag:s6] =	ssyncset.done $0x0  }
0x13f: {  	[sflag:s6] =	ssyncadd.s32 $0xFFFFE000  }
0x140: {  	_ =	swait.ge [sflag:s6], $0x2000  }
0x141: {  	[sflag:s6] =	ssyncset.done $0x0  }
0x142: {  	[sflag:s6] =	ssyncadd.s32 $0xFFFFE000  }
0x143: {  	_ =	swait.ge [sflag:s6], $0x2000  }
0x144: {  	[sflag:s6] =	ssyncset.done $0x0  }
0x145: {  	[sflag:s6] =	ssyncadd.s32 $0xFFFFE000  }
0x146: {  	_ =	swait.ge [sflag:s6], $0x2000  }
0x147: {  	[sflag:s6] =	ssyncset.done $0x0  }
0x148: {  	[sflag:s6] =	ssyncadd.s32 $0xFFFFE000  }
0x149: {  	_ =	swait.ge [sflag:s6], $0x2000  }
0x14a: {  	[sflag:s6] =	ssyncset.done $0x0  }
0x14b: {  	[sflag:s6] =	ssyncadd.s32 $0xFFFFE000  }
0x14c: {  	_ =	swait.ge [sflag:s6], $0x2000  }
0x14d: {  	[sflag:s6] =	ssyncset.done $0x0  }
0x14e: {  	[sflag:s6] =	ssyncadd.s32 $0xFFFFE000  }
0x14f: {  	_ =	swait.ge [sflag:s6], $0x2000  }
0x150: {  	[sflag:s6] =	ssyncset.done $0x0  }
0x151: {  	[sflag:s6] =	ssyncadd.s32 $0xFFFFE000  }
0x152: {  	_ =	swait.ge [sflag:s6], $0x2000  }
0x153: {  	[sflag:s6] =	ssyncset.done $0x0  }
0x154: {  	[sflag:s6] =	ssyncadd.s32 $0xFFFFE000  }
0x155: {  	_ =	swait.ge [sflag:s6], $0x2000  }
0x156: {  	[sflag:s6] =	ssyncset.done $0x0  }
0x157: {  	[sflag:s6] =	ssyncadd.s32 $0xFFFFE000  }
0x158: {  	_ =	swait.ge [sflag:s6], $0x2000  }
0x159: {  	[sflag:s6] =	ssyncset.done $0x0  }
0x15a: {  	[sflag:s6] =	ssyncadd.s32 $0xFFFFE000  }
0x15b: {  	_ =	swait.ge [sflag:s6], $0x2000  }
0x15c: {  	[sflag:s6] =	ssyncset.done $0x0  }
0x15d: {  	[sflag:s6] =	ssyncadd.s32 $0xFFFFE000  }
0x15e: {  	_ =	swait.ge [sflag:s6], $0x2000  }
0x15f: {  	[sflag:s6] =	ssyncset.done $0x0  }
0x160: {  	[sflag:s6] =	ssyncadd.s32 $0xFFFFE000  }
0x161: {  	_ =	swait.ge [sflag:s6], $0x2000  }
0x162: {  	[sflag:s6] =	ssyncset.done $0x0  }
0x163: {  	[sflag:s6] =	ssyncadd.s32 $0xFFFFE000  }
0x164: {  	_ =	swait.ge [sflag:s6], $0x2000  }
0x165: {  	[sflag:s6] =	ssyncset.done $0x0  }
0x166: {  	[sflag:s6] =	ssyncadd.s32 $0xFFFFE000  }
0x167: {  	_ =	swait.ge [sflag:s6], $0x2000  }
0x168: {  	[sflag:s6] =	ssyncset.done $0x0  }
0x169: {  	[sflag:s6] =	ssyncadd.s32 $0xFFFFE000  }
0x16a: {  	_ =	swait.ge [sflag:s6], $0x2000  }
0x16b: {  	[sflag:s6] =	ssyncset.done $0x0  }
0x16c: {  	[sflag:s6] =	ssyncadd.s32 $0xFFFFE000  }
0x16d: {  	_ =	swait.ge [sflag:s6], $0x2000  }
0x16e: {  	[sflag:s6] =	ssyncset.done $0x0  }
0x16f: {  	[sflag:s6] =	ssyncadd.s32 $0xFFFFE000  }
0x170: {  	[bflag:$0x0] =	sbarrier.arrive $0xFFFF  }
0x171: {  	[hbm:s2], [sflag:s4] =	dma.local [spmem:s5], $0x4F0  }
0x172: {  	_ =	swait.ge [sflag:s3], $0x4F0  }
0x173: {  	[sflag:s3] =	ssyncset.done $0x0  }
0x174: {  	[sflag:s3] =	ssyncadd.s32 $0xFFFFFB10  }
0x175: {  	_ =	sfence.sel $0x180000  }
0x176: {  	[bflag:$0x0] =	sbarrier.arrive $0xFFFF  }
0x177: {  	_ =	strace $0x90000047  }
0x178: {  	s0 =	stileid.u32;
	[bflag:$0x2] =	sbarrier.arrive $0xFFFF  }
0x179: {  	p0 =	sne.s32 s0, $0x0;
	s0 =	rddreg [dreg:$0x3]  }
0x17a: {  	s0 =	sadd.s32 @!p0 $0x100000, s0  }
0x17b: {  	[sflag:s0] =	ssyncadd.tile.s32 @!p0 $0x1;
	_ =	shalt  }
.Lfunc_end2:
_tile_overlayer_lowered:
.L_overlay_start_2:
0x17c: {  	(tag) =	ssettag $0x2  }
0x17d: {  	s0 =	rddreg [dreg:$0x0];
	s2 =	stileid.u32  }
0x17e: {  	s1 =	rddreg [dreg:$0x1];
	p0 =	sne.s32 s2, $0x0  }
0x17f: {  	s3 =	rddreg [dreg:$0x2];
	[bflag:$0x3] =	sbarrier.arrive $0xFFFF;
	s2 =	simm.s32 @!p0 $0x1C02  }
0x180: {  	[timem:s3], [sflag:s2] =	dma.local @!p0 [hbm:s0], s1  }
0x181: {  	s0 =	simm.s32 @!p0 $0x2  }
0x182: {  	_ =	swait.ge @!p0 [sflag:s0], s1  }
0x183: {  	s1 =	ssub.s32 @!p0 $0x0, s1;
	[sflag:s0] =	ssyncset.done @!p0 $0x0  }
0x184: {  	[sflag:s0] =	ssyncadd.s32 @!p0 s1  }
0x185: {  	[bflag:$0x3] =	sbarrier.arrive $0xFFFF  }
0x186: {  	_ =	shalt  }

</sc_bundles>
